<compile_context>
chip_gen: v7x
topology: tpu7x:2x2x1
jax: 0.10.2.dev20260603
libtpu: 0.0.44.dev20260713+nightly
codegen_flags: <defaults>
</compile_context>

<pallas_src>
import functools

import jax
import jax.numpy as jnp
from jax import lax
from jax.experimental import pallas as pl
from jax.experimental.pallas import tpu as pltpu
from jax.experimental.pallas import tpu_sc as plsc

NUM_FEATURES = 26
VOCAB = 100000
EMBED_DIM = 32
BATCH = 16384
HEADS = 8
SPLIT = 104
HEAD_DIM = 64
D_ALL = NUM_FEATURES * EMBED_DIM

NC, NS = 2, 16
NW = NC * NS
ROWS = NUM_FEATURES * BATCH
RPW = ROWS // NW
CH = 1024
NCH = RPW // CH

_mesh = plsc.VectorSubcoreMesh(core_axis_name="c", subcore_axis_name="s")


BPW = BATCH // NW


@functools.partial(
    pl.kernel,
    mesh=_mesh,
    compiler_params=pltpu.CompilerParams(
        use_tc_tiling_on_sc=False, needs_layout_passes=False),
    out_type=jax.ShapeDtypeStruct((ROWS, EMBED_DIM), jnp.float32),
    scratch_types=[
        pltpu.VMEM((RPW,), jnp.int32),
        pltpu.VMEM((RPW,), jnp.int32),
        pltpu.VMEM((CH, EMBED_DIM), jnp.float32),
        pltpu.VMEM((CH, EMBED_DIM), jnp.float32),
        pltpu.SemaphoreType.DMA,
        pltpu.SemaphoreType.DMA,
        pltpu.SemaphoreType.DMA,
    ],
)
def _sc_gather(tab_hbm, nsf_hbm, out_hbm, raw_v, gidx_v, buf0, buf1,
               isem, gsem, wsem):
    wid = lax.axis_index("s") * NC + lax.axis_index("c")
    b0 = wid * BPW
    base = wid * RPW
    loads = []
    for f in range(NUM_FEATURES):
        loads.append(pltpu.async_copy(
            nsf_hbm.at[pl.ds(f * BATCH + b0, BPW)],
            raw_v.at[pl.ds(f * BPW, BPW)], isem))
    for ld in loads:
        ld.wait()

    iota26 = lax.iota(jnp.int32, 16) * NUM_FEATURES

    def build(k, carry):
        for f in range(NUM_FEATURES):
            v = raw_v[pl.ds(f * BPW + k * 16, 16)] + (f * VOCAB)
            pos = iota26 + (k * (16 * NUM_FEATURES) + f)
            plsc.store_scatter(gidx_v, [pos], v)
        return carry
    lax.fori_loop(0, BPW // 16, build, 0)

    writes = [None, None]
    bufs = [buf0, buf1]
    for c in range(NCH):
        bb = c % 2
        if writes[bb] is not None:
            writes[bb].wait()
        pltpu.async_copy(
            tab_hbm.at[gidx_v.at[pl.ds(c * CH, CH)]], bufs[bb], gsem).wait()
        writes[bb] = pltpu.async_copy(
            bufs[bb], out_hbm.at[pl.ds(base + c * CH, CH)], wsem)
    for w in writes:
        if w is not None:
            w.wait()


def _mm_body(x_ref, w_ref, o_ref):
    o_ref[...] = jax.lax.dot_general(
        w_ref[...], x_ref[...],
        dimension_numbers=(((1,), (1,)), ((), ())),
        preferred_element_type=jnp.float32)


BB = 1024

_mm = pl.pallas_call(
    _mm_body,
    grid=(BATCH // BB,),
    in_specs=[
        pl.BlockSpec((BB, D_ALL), lambda i: (i, 0)),
        pl.BlockSpec((HEADS * HEAD_DIM, D_ALL), lambda i: (0, 0)),
    ],
    out_specs=pl.BlockSpec((HEADS * HEAD_DIM, BB), lambda i: (0, i)),
    out_shape=jax.ShapeDtypeStruct((HEADS * HEAD_DIM, BATCH), jnp.float32),
)


def kernel(non_seq_features, tables, W_user, W_item):
    flat = tables.reshape(NUM_FEATURES * VOCAB, EMBED_DIM)
    nsf = non_seq_features.reshape(ROWS)
    gathered = _sc_gather(flat, nsf)
    w_all = jnp.concatenate([W_user, W_item], axis=0)
    wbd_t = jax.scipy.linalg.block_diag(*[w_all[j] for j in range(HEADS)])
    out_t = _mm(gathered.reshape(BATCH, D_ALL), wbd_t)
    return out_t.reshape(HEADS, HEAD_DIM, BATCH).transpose(2, 0, 1)

# --- scband reference (transcript-rebuilt; emitter-appended) ---
"""Pipeline reference for scband-uifeature-embedding-86998857548018 (READ-ONLY COPY).

The authoritative reference and input builder live on the scoring server;
editing this copy changes nothing except your own understanding.
"""

import jax, jax.numpy as jnp
import numpy as np

NUM_FEATURES = 26
VOCAB = 100000
EMBED_DIM = 32
BATCH = 16384
NUM_USER_HEADS = 4
NUM_ITEM_HEADS = 4
USER_SPLIT_DIM = 104  # D_user=13*32=416, pad=0, 416//4=104
ITEM_SPLIT_DIM = 104  # D_item=13*32=416, pad=0, 416//4=104
HEAD_DIM = 64
USER_IDX = list(range(13))
ITEM_IDX = list(range(13, 26))


def setup_inputs(seed: int = 0) -> dict:
    key = jax.random.key(seed)
    k1, k2, k3, k4 = jax.random.split(key, 4)
    non_seq_features = jax.random.randint(k1, (NUM_FEATURES, BATCH), 0, VOCAB, dtype=jnp.int32)
    tables = jax.random.normal(k2, (NUM_FEATURES, VOCAB, EMBED_DIM), dtype=jnp.float32) * 0.02
    W_user = jax.random.normal(k3, (NUM_USER_HEADS, HEAD_DIM, USER_SPLIT_DIM), dtype=jnp.float32) * 0.05
    W_item = jax.random.normal(k4, (NUM_ITEM_HEADS, HEAD_DIM, ITEM_SPLIT_DIM), dtype=jnp.float32) * 0.05
    return {"non_seq_features": non_seq_features, "tables": tables, "W_user": W_user, "W_item": W_item}


def reference(non_seq_features, tables, W_user, W_item):
    # Per-feature embedding lookups (gather) mirroring nn.Embedding
    user_embeds = [jnp.take(tables[i], non_seq_features[i], axis=0) for i in USER_IDX]
    item_embeds = [jnp.take(tables[i], non_seq_features[i], axis=0) for i in ITEM_IDX]
    e_user = jnp.concatenate(user_embeds, axis=-1)  # (B, 416)
    e_item = jnp.concatenate(item_embeds, axis=-1)  # (B, 416)
    # user_pad = item_pad = 0 for this config, so no padding needed
    heads = []
    for j in range(NUM_USER_HEADS):
        start = j * USER_SPLIT_DIM
        heads.append(e_user[:, start:start + USER_SPLIT_DIM] @ W_user[j].T)
    for j in range(NUM_ITEM_HEADS):
        start = j * ITEM_SPLIT_DIM
        heads.append(e_item[:, start:start + ITEM_SPLIT_DIM] @ W_item[j].T)
    return jnp.stack(heads, axis=1)  # (B, N=8, D=64)

if __name__ == "__main__":
    import jax
    _d = setup_inputs()
    print(jax.jit(kernel)(*tuple(_d.values())))

</pallas_src>

<mosaic_0001>
#map = affine_map<(d0, d1) -> (0, 0)>
#map1 = affine_map<(d0, d1) -> (0)>
module attributes {stable_mosaic.version = 14 : i64} {
  func.func @_sc_gather(%arg0: i32, %arg1: i32, %arg2: memref<2600000x32xf32, #tpu.memory_space<hbm>>, %arg3: memref<425984xi32, #tpu.memory_space<hbm>>, %arg4: memref<425984x32xf32, #tpu.memory_space<hbm>>, %arg5: memref<13312xi32, #tpu.memory_space<vmem>>, %arg6: memref<13312xi32, #tpu.memory_space<vmem>>, %arg7: memref<1024x32xf32, #tpu.memory_space<vmem>>, %arg8: memref<1024x32xf32, #tpu.memory_space<vmem>>, %arg9: memref<!tpu.dma_semaphore, #tpu.memory_space<semaphore_mem>>, %arg10: memref<!tpu.dma_semaphore, #tpu.memory_space<semaphore_mem>>, %arg11: memref<!tpu.dma_semaphore, #tpu.memory_space<semaphore_mem>>) attributes {dimension_semantics = [#tpu.dimension_semantics<core_parallel>, #tpu.dimension_semantics<subcore_parallel>], iteration_bounds = array<i64: 2, 16>, scalar_prefetch = 0 : i64, scratch_operands = 7 : i64, tpu.core_type = #tpu.core_type<sc_vector_subcore>, window_params = [{transform_indices = #map}, {transform_indices = #map1}, {transform_indices = #map}]} {
    %mul3A = arith.constant 2 : i32
    %mul3A_0 = arith.muli %arg1, %mul3A : i32
    %add3A = arith.addi %mul3A_0, %arg0 : i32
    %mul3A_1 = arith.constant 512 : i32
    %mul3A_2 = arith.muli %add3A, %mul3A_1 : i32
    %mul3A_3 = arith.constant 13312 : i32
    %mul3A_4 = arith.muli %add3A, %mul3A_3 : i32
    %add3A_5 = arith.constant 0 : i32
    %add3A_6 = arith.addi %add3A_5, %mul3A_2 : i32
    %dma_start3A = arith.constant 0 : i32
    %dma_start3A_7 = tpu.memref_slice %arg5[%dma_start3A] : memref<13312xi32, #tpu.memory_space<vmem>> -> memref<512xi32, #tpu.memory_space<vmem>>
    %dma_start3A_8 = tpu.memref_slice %arg3[%add3A_6] : memref<425984xi32, #tpu.memory_space<hbm>> -> memref<512xi32, #tpu.memory_space<hbm>>
    %dma_start3A_9 = arith.constant 0 : i32
    %dma_start3A_10 = tpu.memref_slice %arg5[%dma_start3A_9] : memref<13312xi32, #tpu.memory_space<vmem>> -> memref<512xi32, #tpu.memory_space<vmem>>
    %dma_start3A_11 = tpu.memref_slice %arg3[%add3A_6] : memref<425984xi32, #tpu.memory_space<hbm>> -> memref<512xi32, #tpu.memory_space<hbm>>
    tpu.enqueue_dma source(%dma_start3A_11 : memref<512xi32, #tpu.memory_space<hbm>>) target(%dma_start3A_10 : memref<512xi32, #tpu.memory_space<vmem>>) target_semaphore(%arg9 : memref<!tpu.dma_semaphore, #tpu.memory_space<semaphore_mem>>)
    %add3A_12 = arith.constant 16384 : i32
    %add3A_13 = arith.addi %add3A_12, %mul3A_2 : i32
    %dma_start3A_14 = arith.constant 512 : i32
    %dma_start3A_15 = tpu.memref_slice %arg5[%dma_start3A_14] : memref<13312xi32, #tpu.memory_space<vmem>> -> memref<512xi32, #tpu.memory_space<vmem>>
    %dma_start3A_16 = tpu.memref_slice %arg3[%add3A_13] : memref<425984xi32, #tpu.memory_space<hbm>> -> memref<512xi32, #tpu.memory_space<hbm>>
    %dma_start3A_17 = arith.constant 512 : i32
    %dma_start3A_18 = tpu.memref_slice %arg5[%dma_start3A_17] : memref<13312xi32, #tpu.memory_space<vmem>> -> memref<512xi32, #tpu.memory_space<vmem>>
    %dma_start3A_19 = tpu.memref_slice %arg3[%add3A_13] : memref<425984xi32, #tpu.memory_space<hbm>> -> memref<512xi32, #tpu.memory_space<hbm>>
    tpu.enqueue_dma source(%dma_start3A_19 : memref<512xi32, #tpu.memory_space<hbm>>) target(%dma_start3A_18 : memref<512xi32, #tpu.memory_space<vmem>>) target_semaphore(%arg9 : memref<!tpu.dma_semaphore, #tpu.memory_space<semaphore_mem>>)
    %add3A_20 = arith.constant 32768 : i32
    %add3A_21 = arith.addi %add3A_20, %mul3A_2 : i32
    %dma_start3A_22 = arith.constant 1024 : i32
    %dma_start3A_23 = tpu.memref_slice %arg5[%dma_start3A_22] : memref<13312xi32, #tpu.memory_space<vmem>> -> memref<512xi32, #tpu.memory_space<vmem>>
    %dma_start3A_24 = tpu.memref_slice %arg3[%add3A_21] : memref<425984xi32, #tpu.memory_space<hbm>> -> memref<512xi32, #tpu.memory_space<hbm>>
    %dma_start3A_25 = arith.constant 1024 : i32
    %dma_start3A_26 = tpu.memref_slice %arg5[%dma_start3A_25] : memref<13312xi32, #tpu.memory_space<vmem>> -> memref<512xi32, #tpu.memory_space<vmem>>
    %dma_start3A_27 = tpu.memref_slice %arg3[%add3A_21] : memref<425984xi32, #tpu.memory_space<hbm>> -> memref<512xi32, #tpu.memory_space<hbm>>
    tpu.enqueue_dma source(%dma_start3A_27 : memref<512xi32, #tpu.memory_space<hbm>>) target(%dma_start3A_26 : memref<512xi32, #tpu.memory_space<vmem>>) target_semaphore(%arg9 : memref<!tpu.dma_semaphore, #tpu.memory_space<semaphore_mem>>)
    %add3A_28 = arith.constant 49152 : i32
    %add3A_29 = arith.addi %add3A_28, %mul3A_2 : i32
    %dma_start3A_30 = arith.constant 1536 : i32
    %dma_start3A_31 = tpu.memref_slice %arg5[%dma_start3A_30] : memref<13312xi32, #tpu.memory_space<vmem>> -> memref<512xi32, #tpu.memory_space<vmem>>
    %dma_start3A_32 = tpu.memref_slice %arg3[%add3A_29] : memref<425984xi32, #tpu.memory_space<hbm>> -> memref<512xi32, #tpu.memory_space<hbm>>
    %dma_start3A_33 = arith.constant 1536 : i32
    %dma_start3A_34 = tpu.memref_slice %arg5[%dma_start3A_33] : memref<13312xi32, #tpu.memory_space<vmem>> -> memref<512xi32, #tpu.memory_space<vmem>>
    %dma_start3A_35 = tpu.memref_slice %arg3[%add3A_29] : memref<425984xi32, #tpu.memory_space<hbm>> -> memref<512xi32, #tpu.memory_space<hbm>>
    tpu.enqueue_dma source(%dma_start3A_35 : memref<512xi32, #tpu.memory_space<hbm>>) target(%dma_start3A_34 : memref<512xi32, #tpu.memory_space<vmem>>) target_semaphore(%arg9 : memref<!tpu.dma_semaphore, #tpu.memory_space<semaphore_mem>>)
    %add3A_36 = arith.constant 65536 : i32
    %add3A_37 = arith.addi %add3A_36, %mul3A_2 : i32
    %dma_start3A_38 = arith.constant 2048 : i32
    %dma_start3A_39 = tpu.memref_slice %arg5[%dma_start3A_38] : memref<13312xi32, #tpu.memory_space<vmem>> -> memref<512xi32, #tpu.memory_space<vmem>>
    %dma_start3A_40 = tpu.memref_slice %arg3[%add3A_37] : memref<425984xi32, #tpu.memory_space<hbm>> -> memref<512xi32, #tpu.memory_space<hbm>>
    %dma_start3A_41 = arith.constant 2048 : i32
    %dma_start3A_42 = tpu.memref_slice %arg5[%dma_start3A_41] : memref<13312xi32, #tpu.memory_space<vmem>> -> memref<512xi32, #tpu.memory_space<vmem>>
    %dma_start3A_43 = tpu.memref_slice %arg3[%add3A_37] : memref<425984xi32, #tpu.memory_space<hbm>> -> memref<512xi32, #tpu.memory_space<hbm>>
    tpu.enqueue_dma source(%dma_start3A_43 : memref<512xi32, #tpu.memory_space<hbm>>) target(%dma_start3A_42 : memref<512xi32, #tpu.memory_space<vmem>>) target_semaphore(%arg9 : memref<!tpu.dma_semaphore, #tpu.memory_space<semaphore_mem>>)
    %add3A_44 = arith.constant 81920 : i32
    %add3A_45 = arith.addi %add3A_44, %mul3A_2 : i32
    %dma_start3A_46 = arith.constant 2560 : i32
    %dma_start3A_47 = tpu.memref_slice %arg5[%dma_start3A_46] : memref<13312xi32, #tpu.memory_space<vmem>> -> memref<512xi32, #tpu.memory_space<vmem>>
    %dma_start3A_48 = tpu.memref_slice %arg3[%add3A_45] : memref<425984xi32, #tpu.memory_space<hbm>> -> memref<512xi32, #tpu.memory_space<hbm>>
    %dma_start3A_49 = arith.constant 2560 : i32
    %dma_start3A_50 = tpu.memref_slice %arg5[%dma_start3A_49] : memref<13312xi32, #tpu.memory_space<vmem>> -> memref<512xi32, #tpu.memory_space<vmem>>
    %dma_start3A_51 = tpu.memref_slice %arg3[%add3A_45] : memref<425984xi32, #tpu.memory_space<hbm>> -> memref<512xi32, #tpu.memory_space<hbm>>
    tpu.enqueue_dma source(%dma_start3A_51 : memref<512xi32, #tpu.memory_space<hbm>>) target(%dma_start3A_50 : memref<512xi32, #tpu.memory_space<vmem>>) target_semaphore(%arg9 : memref<!tpu.dma_semaphore, #tpu.memory_space<semaphore_mem>>)
    %add3A_52 = arith.constant 98304 : i32
    %add3A_53 = arith.addi %add3A_52, %mul3A_2 : i32
    %dma_start3A_54 = arith.constant 3072 : i32
    %dma_start3A_55 = tpu.memref_slice %arg5[%dma_start3A_54] : memref<13312xi32, #tpu.memory_space<vmem>> -> memref<512xi32, #tpu.memory_space<vmem>>
    %dma_start3A_56 = tpu.memref_slice %arg3[%add3A_53] : memref<425984xi32, #tpu.memory_space<hbm>> -> memref<512xi32, #tpu.memory_space<hbm>>
    %dma_start3A_57 = arith.constant 3072 : i32
    %dma_start3A_58 = tpu.memref_slice %arg5[%dma_start3A_57] : memref<13312xi32, #tpu.memory_space<vmem>> -> memref<512xi32, #tpu.memory_space<vmem>>
    %dma_start3A_59 = tpu.memref_slice %arg3[%add3A_53] : memref<425984xi32, #tpu.memory_space<hbm>> -> memref<512xi32, #tpu.memory_space<hbm>>
    tpu.enqueue_dma source(%dma_start3A_59 : memref<512xi32, #tpu.memory_space<hbm>>) target(%dma_start3A_58 : memref<512xi32, #tpu.memory_space<vmem>>) target_semaphore(%arg9 : memref<!tpu.dma_semaphore, #tpu.memory_space<semaphore_mem>>)
    %add3A_60 = arith.constant 114688 : i32
    %add3A_61 = arith.addi %add3A_60, %mul3A_2 : i32
    %dma_start3A_62 = arith.constant 3584 : i32
    %dma_start3A_63 = tpu.memref_slice %arg5[%dma_start3A_62] : memref<13312xi32, #tpu.memory_space<vmem>> -> memref<512xi32, #tpu.memory_space<vmem>>
    %dma_start3A_64 = tpu.memref_slice %arg3[%add3A_61] : memref<425984xi32, #tpu.memory_space<hbm>> -> memref<512xi32, #tpu.memory_space<hbm>>
    %dma_start3A_65 = arith.constant 3584 : i32
    %dma_start3A_66 = tpu.memref_slice %arg5[%dma_start3A_65] : memref<13312xi32, #tpu.memory_space<vmem>> -> memref<512xi32, #tpu.memory_space<vmem>>
    %dma_start3A_67 = tpu.memref_slice %arg3[%add3A_61] : memref<425984xi32, #tpu.memory_space<hbm>> -> memref<512xi32, #tpu.memory_space<hbm>>
    tpu.enqueue_dma source(%dma_start3A_67 : memref<512xi32, #tpu.memory_space<hbm>>) target(%dma_start3A_66 : memref<512xi32, #tpu.memory_space<vmem>>) target_semaphore(%arg9 : memref<!tpu.dma_semaphore, #tpu.memory_space<semaphore_mem>>)
    %add3A_68 = arith.constant 131072 : i32
    %add3A_69 = arith.addi %add3A_68, %mul3A_2 : i32
    %dma_start3A_70 = arith.constant 4096 : i32
    %dma_start3A_71 = tpu.memref_slice %arg5[%dma_start3A_70] : memref<13312xi32, #tpu.memory_space<vmem>> -> memref<512xi32, #tpu.memory_space<vmem>>
    %dma_start3A_72 = tpu.memref_slice %arg3[%add3A_69] : memref<425984xi32, #tpu.memory_space<hbm>> -> memref<512xi32, #tpu.memory_space<hbm>>
    %dma_start3A_73 = arith.constant 4096 : i32
    %dma_start3A_74 = tpu.memref_slice %arg5[%dma_start3A_73] : memref<13312xi32, #tpu.memory_space<vmem>> -> memref<512xi32, #tpu.memory_space<vmem>>
    %dma_start3A_75 = tpu.memref_slice %arg3[%add3A_69] : memref<425984xi32, #tpu.memory_space<hbm>> -> memref<512xi32, #tpu.memory_space<hbm>>
    tpu.enqueue_dma source(%dma_start3A_75 : memref<512xi32, #tpu.memory_space<hbm>>) target(%dma_start3A_74 : memref<512xi32, #tpu.memory_space<vmem>>) target_semaphore(%arg9 : memref<!tpu.dma_semaphore, #tpu.memory_space<semaphore_mem>>)
    %add3A_76 = arith.constant 147456 : i32
    %add3A_77 = arith.addi %add3A_76, %mul3A_2 : i32
    %dma_start3A_78 = arith.constant 4608 : i32
    %dma_start3A_79 = tpu.memref_slice %arg5[%dma_start3A_78] : memref<13312xi32, #tpu.memory_space<vmem>> -> memref<512xi32, #tpu.memory_space<vmem>>
    %dma_start3A_80 = tpu.memref_slice %arg3[%add3A_77] : memref<425984xi32, #tpu.memory_space<hbm>> -> memref<512xi32, #tpu.memory_space<hbm>>
    %dma_start3A_81 = arith.constant 4608 : i32
    %dma_start3A_82 = tpu.memref_slice %arg5[%dma_start3A_81] : memref<13312xi32, #tpu.memory_space<vmem>> -> memref<512xi32, #tpu.memory_space<vmem>>
    %dma_start3A_83 = tpu.memref_slice %arg3[%add3A_77] : memref<425984xi32, #tpu.memory_space<hbm>> -> memref<512xi32, #tpu.memory_space<hbm>>
    tpu.enqueue_dma source(%dma_start3A_83 : memref<512xi32, #tpu.memory_space<hbm>>) target(%dma_start3A_82 : memref<512xi32, #tpu.memory_space<vmem>>) target_semaphore(%arg9 : memref<!tpu.dma_semaphore, #tpu.memory_space<semaphore_mem>>)
    %add3A_84 = arith.constant 163840 : i32
    %add3A_85 = arith.addi %add3A_84, %mul3A_2 : i32
    %dma_start3A_86 = arith.constant 5120 : i32
    %dma_start3A_87 = tpu.memref_slice %arg5[%dma_start3A_86] : memref<13312xi32, #tpu.memory_space<vmem>> -> memref<512xi32, #tpu.memory_space<vmem>>
    %dma_start3A_88 = tpu.memref_slice %arg3[%add3A_85] : memref<425984xi32, #tpu.memory_space<hbm>> -> memref<512xi32, #tpu.memory_space<hbm>>
    %dma_start3A_89 = arith.constant 5120 : i32
    %dma_start3A_90 = tpu.memref_slice %arg5[%dma_start3A_89] : memref<13312xi32, #tpu.memory_space<vmem>> -> memref<512xi32, #tpu.memory_space<vmem>>
    %dma_start3A_91 = tpu.memref_slice %arg3[%add3A_85] : memref<425984xi32, #tpu.memory_space<hbm>> -> memref<512xi32, #tpu.memory_space<hbm>>
    tpu.enqueue_dma source(%dma_start3A_91 : memref<512xi32, #tpu.memory_space<hbm>>) target(%dma_start3A_90 : memref<512xi32, #tpu.memory_space<vmem>>) target_semaphore(%arg9 : memref<!tpu.dma_semaphore, #tpu.memory_space<semaphore_mem>>)
    %add3A_92 = arith.constant 180224 : i32
    %add3A_93 = arith.addi %add3A_92, %mul3A_2 : i32
    %dma_start3A_94 = arith.constant 5632 : i32
    %dma_start3A_95 = tpu.memref_slice %arg5[%dma_start3A_94] : memref<13312xi32, #tpu.memory_space<vmem>> -> memref<512xi32, #tpu.memory_space<vmem>>
    %dma_start3A_96 = tpu.memref_slice %arg3[%add3A_93] : memref<425984xi32, #tpu.memory_space<hbm>> -> memref<512xi32, #tpu.memory_space<hbm>>
    %dma_start3A_97 = arith.constant 5632 : i32
    %dma_start3A_98 = tpu.memref_slice %arg5[%dma_start3A_97] : memref<13312xi32, #tpu.memory_space<vmem>> -> memref<512xi32, #tpu.memory_space<vmem>>
    %dma_start3A_99 = tpu.memref_slice %arg3[%add3A_93] : memref<425984xi32, #tpu.memory_space<hbm>> -> memref<512xi32, #tpu.memory_space<hbm>>
    tpu.enqueue_dma source(%dma_start3A_99 : memref<512xi32, #tpu.memory_space<hbm>>) target(%dma_start3A_98 : memref<512xi32, #tpu.memory_space<vmem>>) target_semaphore(%arg9 : memref<!tpu.dma_semaphore, #tpu.memory_space<semaphore_mem>>)
    %add3A_100 = arith.constant 196608 : i32
    %add3A_101 = arith.addi %add3A_100, %mul3A_2 : i32
    %dma_start3A_102 = arith.constant 6144 : i32
    %dma_start3A_103 = tpu.memref_slice %arg5[%dma_start3A_102] : memref<13312xi32, #tpu.memory_space<vmem>> -> memref<512xi32, #tpu.memory_space<vmem>>
    %dma_start3A_104 = tpu.memref_slice %arg3[%add3A_101] : memref<425984xi32, #tpu.memory_space<hbm>> -> memref<512xi32, #tpu.memory_space<hbm>>
    %dma_start3A_105 = arith.constant 6144 : i32
    %dma_start3A_106 = tpu.memref_slice %arg5[%dma_start3A_105] : memref<13312xi32, #tpu.memory_space<vmem>> -> memref<512xi32, #tpu.memory_space<vmem>>
    %dma_start3A_107 = tpu.memref_slice %arg3[%add3A_101] : memref<425984xi32, #tpu.memory_space<hbm>> -> memref<512xi32, #tpu.memory_space<hbm>>
    tpu.enqueue_dma source(%dma_start3A_107 : memref<512xi32, #tpu.memory_space<hbm>>) target(%dma_start3A_106 : memref<512xi32, #tpu.memory_space<vmem>>) target_semaphore(%arg9 : memref<!tpu.dma_semaphore, #tpu.memory_space<semaphore_mem>>)
    %add3A_108 = arith.constant 212992 : i32
    %add3A_109 = arith.addi %add3A_108, %mul3A_2 : i32
    %dma_start3A_110 = arith.constant 6656 : i32
    %dma_start3A_111 = tpu.memref_slice %arg5[%dma_start3A_110] : memref<13312xi32, #tpu.memory_space<vmem>> -> memref<512xi32, #tpu.memory_space<vmem>>
    %dma_start3A_112 = tpu.memref_slice %arg3[%add3A_109] : memref<425984xi32, #tpu.memory_space<hbm>> -> memref<512xi32, #tpu.memory_space<hbm>>
    %dma_start3A_113 = arith.constant 6656 : i32
    %dma_start3A_114 = tpu.memref_slice %arg5[%dma_start3A_113] : memref<13312xi32, #tpu.memory_space<vmem>> -> memref<512xi32, #tpu.memory_space<vmem>>
    %dma_start3A_115 = tpu.memref_slice %arg3[%add3A_109] : memref<425984xi32, #tpu.memory_space<hbm>> -> memref<512xi32, #tpu.memory_space<hbm>>
    tpu.enqueue_dma source(%dma_start3A_115 : memref<512xi32, #tpu.memory_space<hbm>>) target(%dma_start3A_114 : memref<512xi32, #tpu.memory_space<vmem>>) target_semaphore(%arg9 : memref<!tpu.dma_semaphore, #tpu.memory_space<semaphore_mem>>)
    %add3A_116 = arith.constant 229376 : i32
    %add3A_117 = arith.addi %add3A_116, %mul3A_2 : i32
    %dma_start3A_118 = arith.constant 7168 : i32
    %dma_start3A_119 = tpu.memref_slice %arg5[%dma_start3A_118] : memref<13312xi32, #tpu.memory_space<vmem>> -> memref<512xi32, #tpu.memory_space<vmem>>
    %dma_start3A_120 = tpu.memref_slice %arg3[%add3A_117] : memref<425984xi32, #tpu.memory_space<hbm>> -> memref<512xi32, #tpu.memory_space<hbm>>
    %dma_start3A_121 = arith.constant 7168 : i32
    %dma_start3A_122 = tpu.memref_slice %arg5[%dma_start3A_121] : memref<13312xi32, #tpu.memory_space<vmem>> -> memref<512xi32, #tpu.memory_space<vmem>>
    %dma_start3A_123 = tpu.memref_slice %arg3[%add3A_117] : memref<425984xi32, #tpu.memory_space<hbm>> -> memref<512xi32, #tpu.memory_space<hbm>>
    tpu.enqueue_dma source(%dma_start3A_123 : memref<512xi32, #tpu.memory_space<hbm>>) target(%dma_start3A_122 : memref<512xi32, #tpu.memory_space<vmem>>) target_semaphore(%arg9 : memref<!tpu.dma_semaphore, #tpu.memory_space<semaphore_mem>>)
    %add3A_124 = arith.constant 245760 : i32
    %add3A_125 = arith.addi %add3A_124, %mul3A_2 : i32
    %dma_start3A_126 = arith.constant 7680 : i32
    %dma_start3A_127 = tpu.memref_slice %arg5[%dma_start3A_126] : memref<13312xi32, #tpu.memory_space<vmem>> -> memref<512xi32, #tpu.memory_space<vmem>>
    %dma_start3A_128 = tpu.memref_slice %arg3[%add3A_125] : memref<425984xi32, #tpu.memory_space<hbm>> -> memref<512xi32, #tpu.memory_space<hbm>>
    %dma_start3A_129 = arith.constant 7680 : i32
    %dma_start3A_130 = tpu.memref_slice %arg5[%dma_start3A_129] : memref<13312xi32, #tpu.memory_space<vmem>> -> memref<512xi32, #tpu.memory_space<vmem>>
    %dma_start3A_131 = tpu.memref_slice %arg3[%add3A_125] : memref<425984xi32, #tpu.memory_space<hbm>> -> memref<512xi32, #tpu.memory_space<hbm>>
    tpu.enqueue_dma source(%dma_start3A_131 : memref<512xi32, #tpu.memory_space<hbm>>) target(%dma_start3A_130 : memref<512xi32, #tpu.memory_space<vmem>>) target_semaphore(%arg9 : memref<!tpu.dma_semaphore, #tpu.memory_space<semaphore_mem>>)
    %add3A_132 = arith.constant 262144 : i32
    %add3A_133 = arith.addi %add3A_132, %mul3A_2 : i32
    %dma_start3A_134 = arith.constant 8192 : i32
    %dma_start3A_135 = tpu.memref_slice %arg5[%dma_start3A_134] : memref<13312xi32, #tpu.memory_space<vmem>> -> memref<512xi32, #tpu.memory_space<vmem>>
    %dma_start3A_136 = tpu.memref_slice %arg3[%add3A_133] : memref<425984xi32, #tpu.memory_space<hbm>> -> memref<512xi32, #tpu.memory_space<hbm>>
    %dma_start3A_137 = arith.constant 8192 : i32
    %dma_start3A_138 = tpu.memref_slice %arg5[%dma_start3A_137] : memref<13312xi32, #tpu.memory_space<vmem>> -> memref<512xi32, #tpu.memory_space<vmem>>
    %dma_start3A_139 = tpu.memref_slice %arg3[%add3A_133] : memref<425984xi32, #tpu.memory_space<hbm>> -> memref<512xi32, #tpu.memory_space<hbm>>
    tpu.enqueue_dma source(%dma_start3A_139 : memref<512xi32, #tpu.memory_space<hbm>>) target(%dma_start3A_138 : memref<512xi32, #tpu.memory_space<vmem>>) target_semaphore(%arg9 : memref<!tpu.dma_semaphore, #tpu.memory_space<semaphore_mem>>)
    %add3A_140 = arith.constant 278528 : i32
    %add3A_141 = arith.addi %add3A_140, %mul3A_2 : i32
    %dma_start3A_142 = arith.constant 8704 : i32
    %dma_start3A_143 = tpu.memref_slice %arg5[%dma_start3A_142] : memref<13312xi32, #tpu.memory_space<vmem>> -> memref<512xi32, #tpu.memory_space<vmem>>
    %dma_start3A_144 = tpu.memref_slice %arg3[%add3A_141] : memref<425984xi32, #tpu.memory_space<hbm>> -> memref<512xi32, #tpu.memory_space<hbm>>
    %dma_start3A_145 = arith.constant 8704 : i32
    %dma_start3A_146 = tpu.memref_slice %arg5[%dma_start3A_145] : memref<13312xi32, #tpu.memory_space<vmem>> -> memref<512xi32, #tpu.memory_space<vmem>>
    %dma_start3A_147 = tpu.memref_slice %arg3[%add3A_141] : memref<425984xi32, #tpu.memory_space<hbm>> -> memref<512xi32, #tpu.memory_space<hbm>>
    tpu.enqueue_dma source(%dma_start3A_147 : memref<512xi32, #tpu.memory_space<hbm>>) target(%dma_start3A_146 : memref<512xi32, #tpu.memory_space<vmem>>) target_semaphore(%arg9 : memref<!tpu.dma_semaphore, #tpu.memory_space<semaphore_mem>>)
    %add3A_148 = arith.constant 294912 : i32
    %add3A_149 = arith.addi %add3A_148, %mul3A_2 : i32
    %dma_start3A_150 = arith.constant 9216 : i32
    %dma_start3A_151 = tpu.memref_slice %arg5[%dma_start3A_150] : memref<13312xi32, #tpu.memory_space<vmem>> -> memref<512xi32, #tpu.memory_space<vmem>>
    %dma_start3A_152 = tpu.memref_slice %arg3[%add3A_149] : memref<425984xi32, #tpu.memory_space<hbm>> -> memref<512xi32, #tpu.memory_space<hbm>>
    %dma_start3A_153 = arith.constant 9216 : i32
    %dma_start3A_154 = tpu.memref_slice %arg5[%dma_start3A_153] : memref<13312xi32, #tpu.memory_space<vmem>> -> memref<512xi32, #tpu.memory_space<vmem>>
    %dma_start3A_155 = tpu.memref_slice %arg3[%add3A_149] : memref<425984xi32, #tpu.memory_space<hbm>> -> memref<512xi32, #tpu.memory_space<hbm>>
    tpu.enqueue_dma source(%dma_start3A_155 : memref<512xi32, #tpu.memory_space<hbm>>) target(%dma_start3A_154 : memref<512xi32, #tpu.memory_space<vmem>>) target_semaphore(%arg9 : memref<!tpu.dma_semaphore, #tpu.memory_space<semaphore_mem>>)
    %add3A_156 = arith.constant 311296 : i32
    %add3A_157 = arith.addi %add3A_156, %mul3A_2 : i32
    %dma_start3A_158 = arith.constant 9728 : i32
    %dma_start3A_159 = tpu.memref_slice %arg5[%dma_start3A_158] : memref<13312xi32, #tpu.memory_space<vmem>> -> memref<512xi32, #tpu.memory_space<vmem>>
    %dma_start3A_160 = tpu.memref_slice %arg3[%add3A_157] : memref<425984xi32, #tpu.memory_space<hbm>> -> memref<512xi32, #tpu.memory_space<hbm>>
    %dma_start3A_161 = arith.constant 9728 : i32
    %dma_start3A_162 = tpu.memref_slice %arg5[%dma_start3A_161] : memref<13312xi32, #tpu.memory_space<vmem>> -> memref<512xi32, #tpu.memory_space<vmem>>
    %dma_start3A_163 = tpu.memref_slice %arg3[%add3A_157] : memref<425984xi32, #tpu.memory_space<hbm>> -> memref<512xi32, #tpu.memory_space<hbm>>
    tpu.enqueue_dma source(%dma_start3A_163 : memref<512xi32, #tpu.memory_space<hbm>>) target(%dma_start3A_162 : memref<512xi32, #tpu.memory_space<vmem>>) target_semaphore(%arg9 : memref<!tpu.dma_semaphore, #tpu.memory_space<semaphore_mem>>)
    %add3A_164 = arith.constant 327680 : i32
    %add3A_165 = arith.addi %add3A_164, %mul3A_2 : i32
    %dma_start3A_166 = arith.constant 10240 : i32
    %dma_start3A_167 = tpu.memref_slice %arg5[%dma_start3A_166] : memref<13312xi32, #tpu.memory_space<vmem>> -> memref<512xi32, #tpu.memory_space<vmem>>
    %dma_start3A_168 = tpu.memref_slice %arg3[%add3A_165] : memref<425984xi32, #tpu.memory_space<hbm>> -> memref<512xi32, #tpu.memory_space<hbm>>
    %dma_start3A_169 = arith.constant 10240 : i32
    %dma_start3A_170 = tpu.memref_slice %arg5[%dma_start3A_169] : memref<13312xi32, #tpu.memory_space<vmem>> -> memref<512xi32, #tpu.memory_space<vmem>>
    %dma_start3A_171 = tpu.memref_slice %arg3[%add3A_165] : memref<425984xi32, #tpu.memory_space<hbm>> -> memref<512xi32, #tpu.memory_space<hbm>>
    tpu.enqueue_dma source(%dma_start3A_171 : memref<512xi32, #tpu.memory_space<hbm>>) target(%dma_start3A_170 : memref<512xi32, #tpu.memory_space<vmem>>) target_semaphore(%arg9 : memref<!tpu.dma_semaphore, #tpu.memory_space<semaphore_mem>>)
    %add3A_172 = arith.constant 344064 : i32
    %add3A_173 = arith.addi %add3A_172, %mul3A_2 : i32
    %dma_start3A_174 = arith.constant 10752 : i32
    %dma_start3A_175 = tpu.memref_slice %arg5[%dma_start3A_174] : memref<13312xi32, #tpu.memory_space<vmem>> -> memref<512xi32, #tpu.memory_space<vmem>>
    %dma_start3A_176 = tpu.memref_slice %arg3[%add3A_173] : memref<425984xi32, #tpu.memory_space<hbm>> -> memref<512xi32, #tpu.memory_space<hbm>>
    %dma_start3A_177 = arith.constant 10752 : i32
    %dma_start3A_178 = tpu.memref_slice %arg5[%dma_start3A_177] : memref<13312xi32, #tpu.memory_space<vmem>> -> memref<512xi32, #tpu.memory_space<vmem>>
    %dma_start3A_179 = tpu.memref_slice %arg3[%add3A_173] : memref<425984xi32, #tpu.memory_space<hbm>> -> memref<512xi32, #tpu.memory_space<hbm>>
    tpu.enqueue_dma source(%dma_start3A_179 : memref<512xi32, #tpu.memory_space<hbm>>) target(%dma_start3A_178 : memref<512xi32, #tpu.memory_space<vmem>>) target_semaphore(%arg9 : memref<!tpu.dma_semaphore, #tpu.memory_space<semaphore_mem>>)
    %add3A_180 = arith.constant 360448 : i32
    %add3A_181 = arith.addi %add3A_180, %mul3A_2 : i32
    %dma_start3A_182 = arith.constant 11264 : i32
    %dma_start3A_183 = tpu.memref_slice %arg5[%dma_start3A_182] : memref<13312xi32, #tpu.memory_space<vmem>> -> memref<512xi32, #tpu.memory_space<vmem>>
    %dma_start3A_184 = tpu.memref_slice %arg3[%add3A_181] : memref<425984xi32, #tpu.memory_space<hbm>> -> memref<512xi32, #tpu.memory_space<hbm>>
    %dma_start3A_185 = arith.constant 11264 : i32
    %dma_start3A_186 = tpu.memref_slice %arg5[%dma_start3A_185] : memref<13312xi32, #tpu.memory_space<vmem>> -> memref<512xi32, #tpu.memory_space<vmem>>
    %dma_start3A_187 = tpu.memref_slice %arg3[%add3A_181] : memref<425984xi32, #tpu.memory_space<hbm>> -> memref<512xi32, #tpu.memory_space<hbm>>
    tpu.enqueue_dma source(%dma_start3A_187 : memref<512xi32, #tpu.memory_space<hbm>>) target(%dma_start3A_186 : memref<512xi32, #tpu.memory_space<vmem>>) target_semaphore(%arg9 : memref<!tpu.dma_semaphore, #tpu.memory_space<semaphore_mem>>)
    %add3A_188 = arith.constant 376832 : i32
    %add3A_189 = arith.addi %add3A_188, %mul3A_2 : i32
    %dma_start3A_190 = arith.constant 11776 : i32
    %dma_start3A_191 = tpu.memref_slice %arg5[%dma_start3A_190] : memref<13312xi32, #tpu.memory_space<vmem>> -> memref<512xi32, #tpu.memory_space<vmem>>
    %dma_start3A_192 = tpu.memref_slice %arg3[%add3A_189] : memref<425984xi32, #tpu.memory_space<hbm>> -> memref<512xi32, #tpu.memory_space<hbm>>
    %dma_start3A_193 = arith.constant 11776 : i32
    %dma_start3A_194 = tpu.memref_slice %arg5[%dma_start3A_193] : memref<13312xi32, #tpu.memory_space<vmem>> -> memref<512xi32, #tpu.memory_space<vmem>>
    %dma_start3A_195 = tpu.memref_slice %arg3[%add3A_189] : memref<425984xi32, #tpu.memory_space<hbm>> -> memref<512xi32, #tpu.memory_space<hbm>>
    tpu.enqueue_dma source(%dma_start3A_195 : memref<512xi32, #tpu.memory_space<hbm>>) target(%dma_start3A_194 : memref<512xi32, #tpu.memory_space<vmem>>) target_semaphore(%arg9 : memref<!tpu.dma_semaphore, #tpu.memory_space<semaphore_mem>>)
    %add3A_196 = arith.constant 393216 : i32
    %add3A_197 = arith.addi %add3A_196, %mul3A_2 : i32
    %dma_start3A_198 = arith.constant 12288 : i32
    %dma_start3A_199 = tpu.memref_slice %arg5[%dma_start3A_198] : memref<13312xi32, #tpu.memory_space<vmem>> -> memref<512xi32, #tpu.memory_space<vmem>>
    %dma_start3A_200 = tpu.memref_slice %arg3[%add3A_197] : memref<425984xi32, #tpu.memory_space<hbm>> -> memref<512xi32, #tpu.memory_space<hbm>>
    %dma_start3A_201 = arith.constant 12288 : i32
    %dma_start3A_202 = tpu.memref_slice %arg5[%dma_start3A_201] : memref<13312xi32, #tpu.memory_space<vmem>> -> memref<512xi32, #tpu.memory_space<vmem>>
    %dma_start3A_203 = tpu.memref_slice %arg3[%add3A_197] : memref<425984xi32, #tpu.memory_space<hbm>> -> memref<512xi32, #tpu.memory_space<hbm>>
    tpu.enqueue_dma source(%dma_start3A_203 : memref<512xi32, #tpu.memory_space<hbm>>) target(%dma_start3A_202 : memref<512xi32, #tpu.memory_space<vmem>>) target_semaphore(%arg9 : memref<!tpu.dma_semaphore, #tpu.memory_space<semaphore_mem>>)
    %add3A_204 = arith.constant 409600 : i32
    %add3A_205 = arith.addi %add3A_204, %mul3A_2 : i32
    %dma_start3A_206 = arith.constant 12800 : i32
    %dma_start3A_207 = tpu.memref_slice %arg5[%dma_start3A_206] : memref<13312xi32, #tpu.memory_space<vmem>> -> memref<512xi32, #tpu.memory_space<vmem>>
    %dma_start3A_208 = tpu.memref_slice %arg3[%add3A_205] : memref<425984xi32, #tpu.memory_space<hbm>> -> memref<512xi32, #tpu.memory_space<hbm>>
    %dma_start3A_209 = arith.constant 12800 : i32
    %dma_start3A_210 = tpu.memref_slice %arg5[%dma_start3A_209] : memref<13312xi32, #tpu.memory_space<vmem>> -> memref<512xi32, #tpu.memory_space<vmem>>
    %dma_start3A_211 = tpu.memref_slice %arg3[%add3A_205] : memref<425984xi32, #tpu.memory_space<hbm>> -> memref<512xi32, #tpu.memory_space<hbm>>
    tpu.enqueue_dma source(%dma_start3A_211 : memref<512xi32, #tpu.memory_space<hbm>>) target(%dma_start3A_210 : memref<512xi32, #tpu.memory_space<vmem>>) target_semaphore(%arg9 : memref<!tpu.dma_semaphore, #tpu.memory_space<semaphore_mem>>)
    %dma_wait3A = arith.constant 0 : i32
    %dma_wait3A_212 = tpu.memref_slice %arg5[%dma_wait3A] : memref<13312xi32, #tpu.memory_space<vmem>> -> memref<512xi32, #tpu.memory_space<vmem>>
    %dma_wait3A_213 = tpu.memref_slice %arg3[%add3A_6] : memref<425984xi32, #tpu.memory_space<hbm>> -> memref<512xi32, #tpu.memory_space<hbm>>
    %dma_wait3A_214 = arith.constant 0 : i32
    %dma_wait3A_215 = tpu.memref_slice %arg5[%dma_wait3A_214] : memref<13312xi32, #tpu.memory_space<vmem>> -> memref<512xi32, #tpu.memory_space<vmem>>
    %dma_wait3A_216 = tpu.memref_slice %arg3[%add3A_6] : memref<425984xi32, #tpu.memory_space<hbm>> -> memref<512xi32, #tpu.memory_space<hbm>>
    tpu.wait_dma2 semaphore(%arg9 : memref<!tpu.dma_semaphore, #tpu.memory_space<semaphore_mem>>) src(%dma_wait3A_216 : memref<512xi32, #tpu.memory_space<hbm>>) dst(%dma_wait3A_215 : memref<512xi32, #tpu.memory_space<vmem>>)
    %dma_wait3A_217 = arith.constant 512 : i32
    %dma_wait3A_218 = tpu.memref_slice %arg5[%dma_wait3A_217] : memref<13312xi32, #tpu.memory_space<vmem>> -> memref<512xi32, #tpu.memory_space<vmem>>
    %dma_wait3A_219 = tpu.memref_slice %arg3[%add3A_13] : memref<425984xi32, #tpu.memory_space<hbm>> -> memref<512xi32, #tpu.memory_space<hbm>>
    %dma_wait3A_220 = arith.constant 512 : i32
    %dma_wait3A_221 = tpu.memref_slice %arg5[%dma_wait3A_220] : memref<13312xi32, #tpu.memory_space<vmem>> -> memref<512xi32, #tpu.memory_space<vmem>>
    %dma_wait3A_222 = tpu.memref_slice %arg3[%add3A_13] : memref<425984xi32, #tpu.memory_space<hbm>> -> memref<512xi32, #tpu.memory_space<hbm>>
    tpu.wait_dma2 semaphore(%arg9 : memref<!tpu.dma_semaphore, #tpu.memory_space<semaphore_mem>>) src(%dma_wait3A_222 : memref<512xi32, #tpu.memory_space<hbm>>) dst(%dma_wait3A_221 : memref<512xi32, #tpu.memory_space<vmem>>)
    %dma_wait3A_223 = arith.constant 1024 : i32
    %dma_wait3A_224 = tpu.memref_slice %arg5[%dma_wait3A_223] : memref<13312xi32, #tpu.memory_space<vmem>> -> memref<512xi32, #tpu.memory_space<vmem>>
    %dma_wait3A_225 = tpu.memref_slice %arg3[%add3A_21] : memref<425984xi32, #tpu.memory_space<hbm>> -> memref<512xi32, #tpu.memory_space<hbm>>
    %dma_wait3A_226 = arith.constant 1024 : i32
    %dma_wait3A_227 = tpu.memref_slice %arg5[%dma_wait3A_226] : memref<13312xi32, #tpu.memory_space<vmem>> -> memref<512xi32, #tpu.memory_space<vmem>>
    %dma_wait3A_228 = tpu.memref_slice %arg3[%add3A_21] : memref<425984xi32, #tpu.memory_space<hbm>> -> memref<512xi32, #tpu.memory_space<hbm>>
    tpu.wait_dma2 semaphore(%arg9 : memref<!tpu.dma_semaphore, #tpu.memory_space<semaphore_mem>>) src(%dma_wait3A_228 : memref<512xi32, #tpu.memory_space<hbm>>) dst(%dma_wait3A_227 : memref<512xi32, #tpu.memory_space<vmem>>)
    %dma_wait3A_229 = arith.constant 1536 : i32
    %dma_wait3A_230 = tpu.memref_slice %arg5[%dma_wait3A_229] : memref<13312xi32, #tpu.memory_space<vmem>> -> memref<512xi32, #tpu.memory_space<vmem>>
    %dma_wait3A_231 = tpu.memref_slice %arg3[%add3A_29] : memref<425984xi32, #tpu.memory_space<hbm>> -> memref<512xi32, #tpu.memory_space<hbm>>
    %dma_wait3A_232 = arith.constant 1536 : i32
    %dma_wait3A_233 = tpu.memref_slice %arg5[%dma_wait3A_232] : memref<13312xi32, #tpu.memory_space<vmem>> -> memref<512xi32, #tpu.memory_space<vmem>>
    %dma_wait3A_234 = tpu.memref_slice %arg3[%add3A_29] : memref<425984xi32, #tpu.memory_space<hbm>> -> memref<512xi32, #tpu.memory_space<hbm>>
    tpu.wait_dma2 semaphore(%arg9 : memref<!tpu.dma_semaphore, #tpu.memory_space<semaphore_mem>>) src(%dma_wait3A_234 : memref<512xi32, #tpu.memory_space<hbm>>) dst(%dma_wait3A_233 : memref<512xi32, #tpu.memory_space<vmem>>)
    %dma_wait3A_235 = arith.constant 2048 : i32
    %dma_wait3A_236 = tpu.memref_slice %arg5[%dma_wait3A_235] : memref<13312xi32, #tpu.memory_space<vmem>> -> memref<512xi32, #tpu.memory_space<vmem>>
    %dma_wait3A_237 = tpu.memref_slice %arg3[%add3A_37] : memref<425984xi32, #tpu.memory_space<hbm>> -> memref<512xi32, #tpu.memory_space<hbm>>
    %dma_wait3A_238 = arith.constant 2048 : i32
    %dma_wait3A_239 = tpu.memref_slice %arg5[%dma_wait3A_238] : memref<13312xi32, #tpu.memory_space<vmem>> -> memref<512xi32, #tpu.memory_space<vmem>>
    %dma_wait3A_240 = tpu.memref_slice %arg3[%add3A_37] : memref<425984xi32, #tpu.memory_space<hbm>> -> memref<512xi32, #tpu.memory_space<hbm>>
    tpu.wait_dma2 semaphore(%arg9 : memref<!tpu.dma_semaphore, #tpu.memory_space<semaphore_mem>>) src(%dma_wait3A_240 : memref<512xi32, #tpu.memory_space<hbm>>) dst(%dma_wait3A_239 : memref<512xi32, #tpu.memory_space<vmem>>)
    %dma_wait3A_241 = arith.constant 2560 : i32
    %dma_wait3A_242 = tpu.memref_slice %arg5[%dma_wait3A_241] : memref<13312xi32, #tpu.memory_space<vmem>> -> memref<512xi32, #tpu.memory_space<vmem>>
    %dma_wait3A_243 = tpu.memref_slice %arg3[%add3A_45] : memref<425984xi32, #tpu.memory_space<hbm>> -> memref<512xi32, #tpu.memory_space<hbm>>
    %dma_wait3A_244 = arith.constant 2560 : i32
    %dma_wait3A_245 = tpu.memref_slice %arg5[%dma_wait3A_244] : memref<13312xi32, #tpu.memory_space<vmem>> -> memref<512xi32, #tpu.memory_space<vmem>>
    %dma_wait3A_246 = tpu.memref_slice %arg3[%add3A_45] : memref<425984xi32, #tpu.memory_space<hbm>> -> memref<512xi32, #tpu.memory_space<hbm>>
    tpu.wait_dma2 semaphore(%arg9 : memref<!tpu.dma_semaphore, #tpu.memory_space<semaphore_mem>>) src(%dma_wait3A_246 : memref<512xi32, #tpu.memory_space<hbm>>) dst(%dma_wait3A_245 : memref<512xi32, #tpu.memory_space<vmem>>)
    %dma_wait3A_247 = arith.constant 3072 : i32
    %dma_wait3A_248 = tpu.memref_slice %arg5[%dma_wait3A_247] : memref<13312xi32, #tpu.memory_space<vmem>> -> memref<512xi32, #tpu.memory_space<vmem>>
    %dma_wait3A_249 = tpu.memref_slice %arg3[%add3A_53] : memref<425984xi32, #tpu.memory_space<hbm>> -> memref<512xi32, #tpu.memory_space<hbm>>
    %dma_wait3A_250 = arith.constant 3072 : i32
    %dma_wait3A_251 = tpu.memref_slice %arg5[%dma_wait3A_250] : memref<13312xi32, #tpu.memory_space<vmem>> -> memref<512xi32, #tpu.memory_space<vmem>>
    %dma_wait3A_252 = tpu.memref_slice %arg3[%add3A_53] : memref<425984xi32, #tpu.memory_space<hbm>> -> memref<512xi32, #tpu.memory_space<hbm>>
    tpu.wait_dma2 semaphore(%arg9 : memref<!tpu.dma_semaphore, #tpu.memory_space<semaphore_mem>>) src(%dma_wait3A_252 : memref<512xi32, #tpu.memory_space<hbm>>) dst(%dma_wait3A_251 : memref<512xi32, #tpu.memory_space<vmem>>)
    %dma_wait3A_253 = arith.constant 3584 : i32
    %dma_wait3A_254 = tpu.memref_slice %arg5[%dma_wait3A_253] : memref<13312xi32, #tpu.memory_space<vmem>> -> memref<512xi32, #tpu.memory_space<vmem>>
    %dma_wait3A_255 = tpu.memref_slice %arg3[%add3A_61] : memref<425984xi32, #tpu.memory_space<hbm>> -> memref<512xi32, #tpu.memory_space<hbm>>
    %dma_wait3A_256 = arith.constant 3584 : i32
    %dma_wait3A_257 = tpu.memref_slice %arg5[%dma_wait3A_256] : memref<13312xi32, #tpu.memory_space<vmem>> -> memref<512xi32, #tpu.memory_space<vmem>>
    %dma_wait3A_258 = tpu.memref_slice %arg3[%add3A_61] : memref<425984xi32, #tpu.memory_space<hbm>> -> memref<512xi32, #tpu.memory_space<hbm>>
    tpu.wait_dma2 semaphore(%arg9 : memref<!tpu.dma_semaphore, #tpu.memory_space<semaphore_mem>>) src(%dma_wait3A_258 : memref<512xi32, #tpu.memory_space<hbm>>) dst(%dma_wait3A_257 : memref<512xi32, #tpu.memory_space<vmem>>)
    %dma_wait3A_259 = arith.constant 4096 : i32
    %dma_wait3A_260 = tpu.memref_slice %arg5[%dma_wait3A_259] : memref<13312xi32, #tpu.memory_space<vmem>> -> memref<512xi32, #tpu.memory_space<vmem>>
    %dma_wait3A_261 = tpu.memref_slice %arg3[%add3A_69] : memref<425984xi32, #tpu.memory_space<hbm>> -> memref<512xi32, #tpu.memory_space<hbm>>
    %dma_wait3A_262 = arith.constant 4096 : i32
    %dma_wait3A_263 = tpu.memref_slice %arg5[%dma_wait3A_262] : memref<13312xi32, #tpu.memory_space<vmem>> -> memref<512xi32, #tpu.memory_space<vmem>>
    %dma_wait3A_264 = tpu.memref_slice %arg3[%add3A_69] : memref<425984xi32, #tpu.memory_space<hbm>> -> memref<512xi32, #tpu.memory_space<hbm>>
    tpu.wait_dma2 semaphore(%arg9 : memref<!tpu.dma_semaphore, #tpu.memory_space<semaphore_mem>>) src(%dma_wait3A_264 : memref<512xi32, #tpu.memory_space<hbm>>) dst(%dma_wait3A_263 : memref<512xi32, #tpu.memory_space<vmem>>)
    %dma_wait3A_265 = arith.constant 4608 : i32
    %dma_wait3A_266 = tpu.memref_slice %arg5[%dma_wait3A_265] : memref<13312xi32, #tpu.memory_space<vmem>> -> memref<512xi32, #tpu.memory_space<vmem>>
    %dma_wait3A_267 = tpu.memref_slice %arg3[%add3A_77] : memref<425984xi32, #tpu.memory_space<hbm>> -> memref<512xi32, #tpu.memory_space<hbm>>
    %dma_wait3A_268 = arith.constant 4608 : i32
    %dma_wait3A_269 = tpu.memref_slice %arg5[%dma_wait3A_268] : memref<13312xi32, #tpu.memory_space<vmem>> -> memref<512xi32, #tpu.memory_space<vmem>>
    %dma_wait3A_270 = tpu.memref_slice %arg3[%add3A_77] : memref<425984xi32, #tpu.memory_space<hbm>> -> memref<512xi32, #tpu.memory_space<hbm>>
    tpu.wait_dma2 semaphore(%arg9 : memref<!tpu.dma_semaphore, #tpu.memory_space<semaphore_mem>>) src(%dma_wait3A_270 : memref<512xi32, #tpu.memory_space<hbm>>) dst(%dma_wait3A_269 : memref<512xi32, #tpu.memory_space<vmem>>)
    %dma_wait3A_271 = arith.constant 5120 : i32
    %dma_wait3A_272 = tpu.memref_slice %arg5[%dma_wait3A_271] : memref<13312xi32, #tpu.memory_space<vmem>> -> memref<512xi32, #tpu.memory_space<vmem>>
    %dma_wait3A_273 = tpu.memref_slice %arg3[%add3A_85] : memref<425984xi32, #tpu.memory_space<hbm>> -> memref<512xi32, #tpu.memory_space<hbm>>
    %dma_wait3A_274 = arith.constant 5120 : i32
    %dma_wait3A_275 = tpu.memref_slice %arg5[%dma_wait3A_274] : memref<13312xi32, #tpu.memory_space<vmem>> -> memref<512xi32, #tpu.memory_space<vmem>>
    %dma_wait3A_276 = tpu.memref_slice %arg3[%add3A_85] : memref<425984xi32, #tpu.memory_space<hbm>> -> memref<512xi32, #tpu.memory_space<hbm>>
    tpu.wait_dma2 semaphore(%arg9 : memref<!tpu.dma_semaphore, #tpu.memory_space<semaphore_mem>>) src(%dma_wait3A_276 : memref<512xi32, #tpu.memory_space<hbm>>) dst(%dma_wait3A_275 : memref<512xi32, #tpu.memory_space<vmem>>)
    %dma_wait3A_277 = arith.constant 5632 : i32
    %dma_wait3A_278 = tpu.memref_slice %arg5[%dma_wait3A_277] : memref<13312xi32, #tpu.memory_space<vmem>> -> memref<512xi32, #tpu.memory_space<vmem>>
    %dma_wait3A_279 = tpu.memref_slice %arg3[%add3A_93] : memref<425984xi32, #tpu.memory_space<hbm>> -> memref<512xi32, #tpu.memory_space<hbm>>
    %dma_wait3A_280 = arith.constant 5632 : i32
    %dma_wait3A_281 = tpu.memref_slice %arg5[%dma_wait3A_280] : memref<13312xi32, #tpu.memory_space<vmem>> -> memref<512xi32, #tpu.memory_space<vmem>>
    %dma_wait3A_282 = tpu.memref_slice %arg3[%add3A_93] : memref<425984xi32, #tpu.memory_space<hbm>> -> memref<512xi32, #tpu.memory_space<hbm>>
    tpu.wait_dma2 semaphore(%arg9 : memref<!tpu.dma_semaphore, #tpu.memory_space<semaphore_mem>>) src(%dma_wait3A_282 : memref<512xi32, #tpu.memory_space<hbm>>) dst(%dma_wait3A_281 : memref<512xi32, #tpu.memory_space<vmem>>)
    %dma_wait3A_283 = arith.constant 6144 : i32
    %dma_wait3A_284 = tpu.memref_slice %arg5[%dma_wait3A_283] : memref<13312xi32, #tpu.memory_space<vmem>> -> memref<512xi32, #tpu.memory_space<vmem>>
    %dma_wait3A_285 = tpu.memref_slice %arg3[%add3A_101] : memref<425984xi32, #tpu.memory_space<hbm>> -> memref<512xi32, #tpu.memory_space<hbm>>
    %dma_wait3A_286 = arith.constant 6144 : i32
    %dma_wait3A_287 = tpu.memref_slice %arg5[%dma_wait3A_286] : memref<13312xi32, #tpu.memory_space<vmem>> -> memref<512xi32, #tpu.memory_space<vmem>>
    %dma_wait3A_288 = tpu.memref_slice %arg3[%add3A_101] : memref<425984xi32, #tpu.memory_space<hbm>> -> memref<512xi32, #tpu.memory_space<hbm>>
    tpu.wait_dma2 semaphore(%arg9 : memref<!tpu.dma_semaphore, #tpu.memory_space<semaphore_mem>>) src(%dma_wait3A_288 : memref<512xi32, #tpu.memory_space<hbm>>) dst(%dma_wait3A_287 : memref<512xi32, #tpu.memory_space<vmem>>)
    %dma_wait3A_289 = arith.constant 6656 : i32
    %dma_wait3A_290 = tpu.memref_slice %arg5[%dma_wait3A_289] : memref<13312xi32, #tpu.memory_space<vmem>> -> memref<512xi32, #tpu.memory_space<vmem>>
    %dma_wait3A_291 = tpu.memref_slice %arg3[%add3A_109] : memref<425984xi32, #tpu.memory_space<hbm>> -> memref<512xi32, #tpu.memory_space<hbm>>
    %dma_wait3A_292 = arith.constant 6656 : i32
    %dma_wait3A_293 = tpu.memref_slice %arg5[%dma_wait3A_292] : memref<13312xi32, #tpu.memory_space<vmem>> -> memref<512xi32, #tpu.memory_space<vmem>>
    %dma_wait3A_294 = tpu.memref_slice %arg3[%add3A_109] : memref<425984xi32, #tpu.memory_space<hbm>> -> memref<512xi32, #tpu.memory_space<hbm>>
    tpu.wait_dma2 semaphore(%arg9 : memref<!tpu.dma_semaphore, #tpu.memory_space<semaphore_mem>>) src(%dma_wait3A_294 : memref<512xi32, #tpu.memory_space<hbm>>) dst(%dma_wait3A_293 : memref<512xi32, #tpu.memory_space<vmem>>)
    %dma_wait3A_295 = arith.constant 7168 : i32
    %dma_wait3A_296 = tpu.memref_slice %arg5[%dma_wait3A_295] : memref<13312xi32, #tpu.memory_space<vmem>> -> memref<512xi32, #tpu.memory_space<vmem>>
    %dma_wait3A_297 = tpu.memref_slice %arg3[%add3A_117] : memref<425984xi32, #tpu.memory_space<hbm>> -> memref<512xi32, #tpu.memory_space<hbm>>
    %dma_wait3A_298 = arith.constant 7168 : i32
    %dma_wait3A_299 = tpu.memref_slice %arg5[%dma_wait3A_298] : memref<13312xi32, #tpu.memory_space<vmem>> -> memref<512xi32, #tpu.memory_space<vmem>>
    %dma_wait3A_300 = tpu.memref_slice %arg3[%add3A_117] : memref<425984xi32, #tpu.memory_space<hbm>> -> memref<512xi32, #tpu.memory_space<hbm>>
    tpu.wait_dma2 semaphore(%arg9 : memref<!tpu.dma_semaphore, #tpu.memory_space<semaphore_mem>>) src(%dma_wait3A_300 : memref<512xi32, #tpu.memory_space<hbm>>) dst(%dma_wait3A_299 : memref<512xi32, #tpu.memory_space<vmem>>)
    %dma_wait3A_301 = arith.constant 7680 : i32
    %dma_wait3A_302 = tpu.memref_slice %arg5[%dma_wait3A_301] : memref<13312xi32, #tpu.memory_space<vmem>> -> memref<512xi32, #tpu.memory_space<vmem>>
    %dma_wait3A_303 = tpu.memref_slice %arg3[%add3A_125] : memref<425984xi32, #tpu.memory_space<hbm>> -> memref<512xi32, #tpu.memory_space<hbm>>
    %dma_wait3A_304 = arith.constant 7680 : i32
    %dma_wait3A_305 = tpu.memref_slice %arg5[%dma_wait3A_304] : memref<13312xi32, #tpu.memory_space<vmem>> -> memref<512xi32, #tpu.memory_space<vmem>>
    %dma_wait3A_306 = tpu.memref_slice %arg3[%add3A_125] : memref<425984xi32, #tpu.memory_space<hbm>> -> memref<512xi32, #tpu.memory_space<hbm>>
    tpu.wait_dma2 semaphore(%arg9 : memref<!tpu.dma_semaphore, #tpu.memory_space<semaphore_mem>>) src(%dma_wait3A_306 : memref<512xi32, #tpu.memory_space<hbm>>) dst(%dma_wait3A_305 : memref<512xi32, #tpu.memory_space<vmem>>)
    %dma_wait3A_307 = arith.constant 8192 : i32
    %dma_wait3A_308 = tpu.memref_slice %arg5[%dma_wait3A_307] : memref<13312xi32, #tpu.memory_space<vmem>> -> memref<512xi32, #tpu.memory_space<vmem>>
    %dma_wait3A_309 = tpu.memref_slice %arg3[%add3A_133] : memref<425984xi32, #tpu.memory_space<hbm>> -> memref<512xi32, #tpu.memory_space<hbm>>
    %dma_wait3A_310 = arith.constant 8192 : i32
    %dma_wait3A_311 = tpu.memref_slice %arg5[%dma_wait3A_310] : memref<13312xi32, #tpu.memory_space<vmem>> -> memref<512xi32, #tpu.memory_space<vmem>>
    %dma_wait3A_312 = tpu.memref_slice %arg3[%add3A_133] : memref<425984xi32, #tpu.memory_space<hbm>> -> memref<512xi32, #tpu.memory_space<hbm>>
    tpu.wait_dma2 semaphore(%arg9 : memref<!tpu.dma_semaphore, #tpu.memory_space<semaphore_mem>>) src(%dma_wait3A_312 : memref<512xi32, #tpu.memory_space<hbm>>) dst(%dma_wait3A_311 : memref<512xi32, #tpu.memory_space<vmem>>)
    %dma_wait3A_313 = arith.constant 8704 : i32
    %dma_wait3A_314 = tpu.memref_slice %arg5[%dma_wait3A_313] : memref<13312xi32, #tpu.memory_space<vmem>> -> memref<512xi32, #tpu.memory_space<vmem>>
    %dma_wait3A_315 = tpu.memref_slice %arg3[%add3A_141] : memref<425984xi32, #tpu.memory_space<hbm>> -> memref<512xi32, #tpu.memory_space<hbm>>
    %dma_wait3A_316 = arith.constant 8704 : i32
    %dma_wait3A_317 = tpu.memref_slice %arg5[%dma_wait3A_316] : memref<13312xi32, #tpu.memory_space<vmem>> -> memref<512xi32, #tpu.memory_space<vmem>>
    %dma_wait3A_318 = tpu.memref_slice %arg3[%add3A_141] : memref<425984xi32, #tpu.memory_space<hbm>> -> memref<512xi32, #tpu.memory_space<hbm>>
    tpu.wait_dma2 semaphore(%arg9 : memref<!tpu.dma_semaphore, #tpu.memory_space<semaphore_mem>>) src(%dma_wait3A_318 : memref<512xi32, #tpu.memory_space<hbm>>) dst(%dma_wait3A_317 : memref<512xi32, #tpu.memory_space<vmem>>)
    %dma_wait3A_319 = arith.constant 9216 : i32
    %dma_wait3A_320 = tpu.memref_slice %arg5[%dma_wait3A_319] : memref<13312xi32, #tpu.memory_space<vmem>> -> memref<512xi32, #tpu.memory_space<vmem>>
    %dma_wait3A_321 = tpu.memref_slice %arg3[%add3A_149] : memref<425984xi32, #tpu.memory_space<hbm>> -> memref<512xi32, #tpu.memory_space<hbm>>
    %dma_wait3A_322 = arith.constant 9216 : i32
    %dma_wait3A_323 = tpu.memref_slice %arg5[%dma_wait3A_322] : memref<13312xi32, #tpu.memory_space<vmem>> -> memref<512xi32, #tpu.memory_space<vmem>>
    %dma_wait3A_324 = tpu.memref_slice %arg3[%add3A_149] : memref<425984xi32, #tpu.memory_space<hbm>> -> memref<512xi32, #tpu.memory_space<hbm>>
    tpu.wait_dma2 semaphore(%arg9 : memref<!tpu.dma_semaphore, #tpu.memory_space<semaphore_mem>>) src(%dma_wait3A_324 : memref<512xi32, #tpu.memory_space<hbm>>) dst(%dma_wait3A_323 : memref<512xi32, #tpu.memory_space<vmem>>)
    %dma_wait3A_325 = arith.constant 9728 : i32
    %dma_wait3A_326 = tpu.memref_slice %arg5[%dma_wait3A_325] : memref<13312xi32, #tpu.memory_space<vmem>> -> memref<512xi32, #tpu.memory_space<vmem>>
    %dma_wait3A_327 = tpu.memref_slice %arg3[%add3A_157] : memref<425984xi32, #tpu.memory_space<hbm>> -> memref<512xi32, #tpu.memory_space<hbm>>
    %dma_wait3A_328 = arith.constant 9728 : i32
    %dma_wait3A_329 = tpu.memref_slice %arg5[%dma_wait3A_328] : memref<13312xi32, #tpu.memory_space<vmem>> -> memref<512xi32, #tpu.memory_space<vmem>>
    %dma_wait3A_330 = tpu.memref_slice %arg3[%add3A_157] : memref<425984xi32, #tpu.memory_space<hbm>> -> memref<512xi32, #tpu.memory_space<hbm>>
    tpu.wait_dma2 semaphore(%arg9 : memref<!tpu.dma_semaphore, #tpu.memory_space<semaphore_mem>>) src(%dma_wait3A_330 : memref<512xi32, #tpu.memory_space<hbm>>) dst(%dma_wait3A_329 : memref<512xi32, #tpu.memory_space<vmem>>)
    %dma_wait3A_331 = arith.constant 10240 : i32
    %dma_wait3A_332 = tpu.memref_slice %arg5[%dma_wait3A_331] : memref<13312xi32, #tpu.memory_space<vmem>> -> memref<512xi32, #tpu.memory_space<vmem>>
    %dma_wait3A_333 = tpu.memref_slice %arg3[%add3A_165] : memref<425984xi32, #tpu.memory_space<hbm>> -> memref<512xi32, #tpu.memory_space<hbm>>
    %dma_wait3A_334 = arith.constant 10240 : i32
    %dma_wait3A_335 = tpu.memref_slice %arg5[%dma_wait3A_334] : memref<13312xi32, #tpu.memory_space<vmem>> -> memref<512xi32, #tpu.memory_space<vmem>>
    %dma_wait3A_336 = tpu.memref_slice %arg3[%add3A_165] : memref<425984xi32, #tpu.memory_space<hbm>> -> memref<512xi32, #tpu.memory_space<hbm>>
    tpu.wait_dma2 semaphore(%arg9 : memref<!tpu.dma_semaphore, #tpu.memory_space<semaphore_mem>>) src(%dma_wait3A_336 : memref<512xi32, #tpu.memory_space<hbm>>) dst(%dma_wait3A_335 : memref<512xi32, #tpu.memory_space<vmem>>)
    %dma_wait3A_337 = arith.constant 10752 : i32
    %dma_wait3A_338 = tpu.memref_slice %arg5[%dma_wait3A_337] : memref<13312xi32, #tpu.memory_space<vmem>> -> memref<512xi32, #tpu.memory_space<vmem>>
    %dma_wait3A_339 = tpu.memref_slice %arg3[%add3A_173] : memref<425984xi32, #tpu.memory_space<hbm>> -> memref<512xi32, #tpu.memory_space<hbm>>
    %dma_wait3A_340 = arith.constant 10752 : i32
    %dma_wait3A_341 = tpu.memref_slice %arg5[%dma_wait3A_340] : memref<13312xi32, #tpu.memory_space<vmem>> -> memref<512xi32, #tpu.memory_space<vmem>>
    %dma_wait3A_342 = tpu.memref_slice %arg3[%add3A_173] : memref<425984xi32, #tpu.memory_space<hbm>> -> memref<512xi32, #tpu.memory_space<hbm>>
    tpu.wait_dma2 semaphore(%arg9 : memref<!tpu.dma_semaphore, #tpu.memory_space<semaphore_mem>>) src(%dma_wait3A_342 : memref<512xi32, #tpu.memory_space<hbm>>) dst(%dma_wait3A_341 : memref<512xi32, #tpu.memory_space<vmem>>)
    %dma_wait3A_343 = arith.constant 11264 : i32
    %dma_wait3A_344 = tpu.memref_slice %arg5[%dma_wait3A_343] : memref<13312xi32, #tpu.memory_space<vmem>> -> memref<512xi32, #tpu.memory_space<vmem>>
    %dma_wait3A_345 = tpu.memref_slice %arg3[%add3A_181] : memref<425984xi32, #tpu.memory_space<hbm>> -> memref<512xi32, #tpu.memory_space<hbm>>
    %dma_wait3A_346 = arith.constant 11264 : i32
    %dma_wait3A_347 = tpu.memref_slice %arg5[%dma_wait3A_346] : memref<13312xi32, #tpu.memory_space<vmem>> -> memref<512xi32, #tpu.memory_space<vmem>>
    %dma_wait3A_348 = tpu.memref_slice %arg3[%add3A_181] : memref<425984xi32, #tpu.memory_space<hbm>> -> memref<512xi32, #tpu.memory_space<hbm>>
    tpu.wait_dma2 semaphore(%arg9 : memref<!tpu.dma_semaphore, #tpu.memory_space<semaphore_mem>>) src(%dma_wait3A_348 : memref<512xi32, #tpu.memory_space<hbm>>) dst(%dma_wait3A_347 : memref<512xi32, #tpu.memory_space<vmem>>)
    %dma_wait3A_349 = arith.constant 11776 : i32
    %dma_wait3A_350 = tpu.memref_slice %arg5[%dma_wait3A_349] : memref<13312xi32, #tpu.memory_space<vmem>> -> memref<512xi32, #tpu.memory_space<vmem>>
    %dma_wait3A_351 = tpu.memref_slice %arg3[%add3A_189] : memref<425984xi32, #tpu.memory_space<hbm>> -> memref<512xi32, #tpu.memory_space<hbm>>
    %dma_wait3A_352 = arith.constant 11776 : i32
    %dma_wait3A_353 = tpu.memref_slice %arg5[%dma_wait3A_352] : memref<13312xi32, #tpu.memory_space<vmem>> -> memref<512xi32, #tpu.memory_space<vmem>>
    %dma_wait3A_354 = tpu.memref_slice %arg3[%add3A_189] : memref<425984xi32, #tpu.memory_space<hbm>> -> memref<512xi32, #tpu.memory_space<hbm>>
    tpu.wait_dma2 semaphore(%arg9 : memref<!tpu.dma_semaphore, #tpu.memory_space<semaphore_mem>>) src(%dma_wait3A_354 : memref<512xi32, #tpu.memory_space<hbm>>) dst(%dma_wait3A_353 : memref<512xi32, #tpu.memory_space<vmem>>)
    %dma_wait3A_355 = arith.constant 12288 : i32
    %dma_wait3A_356 = tpu.memref_slice %arg5[%dma_wait3A_355] : memref<13312xi32, #tpu.memory_space<vmem>> -> memref<512xi32, #tpu.memory_space<vmem>>
    %dma_wait3A_357 = tpu.memref_slice %arg3[%add3A_197] : memref<425984xi32, #tpu.memory_space<hbm>> -> memref<512xi32, #tpu.memory_space<hbm>>
    %dma_wait3A_358 = arith.constant 12288 : i32
    %dma_wait3A_359 = tpu.memref_slice %arg5[%dma_wait3A_358] : memref<13312xi32, #tpu.memory_space<vmem>> -> memref<512xi32, #tpu.memory_space<vmem>>
    %dma_wait3A_360 = tpu.memref_slice %arg3[%add3A_197] : memref<425984xi32, #tpu.memory_space<hbm>> -> memref<512xi32, #tpu.memory_space<hbm>>
    tpu.wait_dma2 semaphore(%arg9 : memref<!tpu.dma_semaphore, #tpu.memory_space<semaphore_mem>>) src(%dma_wait3A_360 : memref<512xi32, #tpu.memory_space<hbm>>) dst(%dma_wait3A_359 : memref<512xi32, #tpu.memory_space<vmem>>)
    %dma_wait3A_361 = arith.constant 12800 : i32
    %dma_wait3A_362 = tpu.memref_slice %arg5[%dma_wait3A_361] : memref<13312xi32, #tpu.memory_space<vmem>> -> memref<512xi32, #tpu.memory_space<vmem>>
    %dma_wait3A_363 = tpu.memref_slice %arg3[%add3A_205] : memref<425984xi32, #tpu.memory_space<hbm>> -> memref<512xi32, #tpu.memory_space<hbm>>
    %dma_wait3A_364 = arith.constant 12800 : i32
    %dma_wait3A_365 = tpu.memref_slice %arg5[%dma_wait3A_364] : memref<13312xi32, #tpu.memory_space<vmem>> -> memref<512xi32, #tpu.memory_space<vmem>>
    %dma_wait3A_366 = tpu.memref_slice %arg3[%add3A_205] : memref<425984xi32, #tpu.memory_space<hbm>> -> memref<512xi32, #tpu.memory_space<hbm>>
    tpu.wait_dma2 semaphore(%arg9 : memref<!tpu.dma_semaphore, #tpu.memory_space<semaphore_mem>>) src(%dma_wait3A_366 : memref<512xi32, #tpu.memory_space<hbm>>) dst(%dma_wait3A_365 : memref<512xi32, #tpu.memory_space<vmem>>)
    %iota3A = tpu.iota {dimensions = array<i32: 0>} : vector<16xi32>
    %mul3A_367 = arith.constant 26 : i32
    %mul3A_368 = vector.broadcast %mul3A_367 : i32 to vector<16xi32>
    %mul3A_369 = arith.muli %iota3A, %mul3A_368 : vector<16xi32>
    %scan3A = arith.constant 0 : i32
    %scan3A_370 = arith.constant 0 : i32
    %scan3A_371 = arith.constant 32 : i32
    %scan3A_372 = arith.addi %scan3A_370, %scan3A_371 : i32
    %scan3A_373 = arith.constant 1 : i32
    scf.for %scan3A_635 = %scan3A_370 to %scan3A_372 step %scan3A_373  : i32 {
      %mul3A_636 = arith.constant 16 : i32
      %mul3A_637 = arith.muli %scan3A_635, %mul3A_636 : i32
      %add3A_638 = arith.constant 0 : i32
      %add3A_639 = arith.addi %add3A_638, %mul3A_637 : i32
      %get3A = arith.index_cast %add3A_639 : i32 to index
      %get3A_640 = tpu.vector_load %arg5[%get3A] {strides = array<i32>} : memref<13312xi32, #tpu.memory_space<vmem>>, vector<16xi32>,
      %add3A_641 = arith.constant 0 : i32
      %add3A_642 = vector.broadcast %add3A_641 : i32 to vector<16xi32>
      %add3A_643 = arith.addi %get3A_640, %add3A_642 : vector<16xi32>
      %mul3A_644 = arith.constant 416 : i32
      %mul3A_645 = arith.muli %scan3A_635, %mul3A_644 : i32
      %add3A_646 = arith.constant 0 : i32
      %add3A_647 = arith.addi %mul3A_645, %add3A_646 : i32
      %add3A_648 = vector.broadcast %add3A_647 : i32 to vector<16xi32>
      %add3A_649 = arith.addi %mul3A_369, %add3A_648 : vector<16xi32>
      tpu.vector_store_idx %arg6[%add3A_649], %add3A_643 : memref<13312xi32, #tpu.memory_space<vmem>>[vector<16xi32>], vector<16xi32>,
      %mul3A_650 = arith.constant 16 : i32
      %mul3A_651 = arith.muli %scan3A_635, %mul3A_650 : i32
      %add3A_652 = arith.constant 512 : i32
      %add3A_653 = arith.addi %add3A_652, %mul3A_651 : i32
      %get3A_654 = arith.index_cast %add3A_653 : i32 to index
      %get3A_655 = tpu.vector_load %arg5[%get3A_654] {strides = array<i32>} : memref<13312xi32, #tpu.memory_space<vmem>>, vector<16xi32>,
      %add3A_656 = arith.constant 100000 : i32
      %add3A_657 = vector.broadcast %add3A_656 : i32 to vector<16xi32>
      %add3A_658 = arith.addi %get3A_655, %add3A_657 : vector<16xi32>
      %mul3A_659 = arith.constant 416 : i32
      %mul3A_660 = arith.muli %scan3A_635, %mul3A_659 : i32
      %add3A_661 = arith.constant 1 : i32
      %add3A_662 = arith.addi %mul3A_660, %add3A_661 : i32
      %add3A_663 = vector.broadcast %add3A_662 : i32 to vector<16xi32>
      %add3A_664 = arith.addi %mul3A_369, %add3A_663 : vector<16xi32>
      tpu.vector_store_idx %arg6[%add3A_664], %add3A_658 : memref<13312xi32, #tpu.memory_space<vmem>>[vector<16xi32>], vector<16xi32>,
      %mul3A_665 = arith.constant 16 : i32
      %mul3A_666 = arith.muli %scan3A_635, %mul3A_665 : i32
      %add3A_667 = arith.constant 1024 : i32
      %add3A_668 = arith.addi %add3A_667, %mul3A_666 : i32
      %get3A_669 = arith.index_cast %add3A_668 : i32 to index
      %get3A_670 = tpu.vector_load %arg5[%get3A_669] {strides = array<i32>} : memref<13312xi32, #tpu.memory_space<vmem>>, vector<16xi32>,
      %add3A_671 = arith.constant 200000 : i32
      %add3A_672 = vector.broadcast %add3A_671 : i32 to vector<16xi32>
      %add3A_673 = arith.addi %get3A_670, %add3A_672 : vector<16xi32>
      %mul3A_674 = arith.constant 416 : i32
      %mul3A_675 = arith.muli %scan3A_635, %mul3A_674 : i32
      %add3A_676 = arith.constant 2 : i32
      %add3A_677 = arith.addi %mul3A_675, %add3A_676 : i32
      %add3A_678 = vector.broadcast %add3A_677 : i32 to vector<16xi32>
      %add3A_679 = arith.addi %mul3A_369, %add3A_678 : vector<16xi32>
      tpu.vector_store_idx %arg6[%add3A_679], %add3A_673 : memref<13312xi32, #tpu.memory_space<vmem>>[vector<16xi32>], vector<16xi32>,
      %mul3A_680 = arith.constant 16 : i32
      %mul3A_681 = arith.muli %scan3A_635, %mul3A_680 : i32
      %add3A_682 = arith.constant 1536 : i32
      %add3A_683 = arith.addi %add3A_682, %mul3A_681 : i32
      %get3A_684 = arith.index_cast %add3A_683 : i32 to index
      %get3A_685 = tpu.vector_load %arg5[%get3A_684] {strides = array<i32>} : memref<13312xi32, #tpu.memory_space<vmem>>, vector<16xi32>,
      %add3A_686 = arith.constant 300000 : i32
      %add3A_687 = vector.broadcast %add3A_686 : i32 to vector<16xi32>
      %add3A_688 = arith.addi %get3A_685, %add3A_687 : vector<16xi32>
      %mul3A_689 = arith.constant 416 : i32
      %mul3A_690 = arith.muli %scan3A_635, %mul3A_689 : i32
      %add3A_691 = arith.constant 3 : i32
      %add3A_692 = arith.addi %mul3A_690, %add3A_691 : i32
      %add3A_693 = vector.broadcast %add3A_692 : i32 to vector<16xi32>
      %add3A_694 = arith.addi %mul3A_369, %add3A_693 : vector<16xi32>
      tpu.vector_store_idx %arg6[%add3A_694], %add3A_688 : memref<13312xi32, #tpu.memory_space<vmem>>[vector<16xi32>], vector<16xi32>,
      %mul3A_695 = arith.constant 16 : i32
      %mul3A_696 = arith.muli %scan3A_635, %mul3A_695 : i32
      %add3A_697 = arith.constant 2048 : i32
      %add3A_698 = arith.addi %add3A_697, %mul3A_696 : i32
      %get3A_699 = arith.index_cast %add3A_698 : i32 to index
      %get3A_700 = tpu.vector_load %arg5[%get3A_699] {strides = array<i32>} : memref<13312xi32, #tpu.memory_space<vmem>>, vector<16xi32>,
      %add3A_701 = arith.constant 400000 : i32
      %add3A_702 = vector.broadcast %add3A_701 : i32 to vector<16xi32>
      %add3A_703 = arith.addi %get3A_700, %add3A_702 : vector<16xi32>
      %mul3A_704 = arith.constant 416 : i32
      %mul3A_705 = arith.muli %scan3A_635, %mul3A_704 : i32
      %add3A_706 = arith.constant 4 : i32
      %add3A_707 = arith.addi %mul3A_705, %add3A_706 : i32
      %add3A_708 = vector.broadcast %add3A_707 : i32 to vector<16xi32>
      %add3A_709 = arith.addi %mul3A_369, %add3A_708 : vector<16xi32>
      tpu.vector_store_idx %arg6[%add3A_709], %add3A_703 : memref<13312xi32, #tpu.memory_space<vmem>>[vector<16xi32>], vector<16xi32>,
      %mul3A_710 = arith.constant 16 : i32
      %mul3A_711 = arith.muli %scan3A_635, %mul3A_710 : i32
      %add3A_712 = arith.constant 2560 : i32
      %add3A_713 = arith.addi %add3A_712, %mul3A_711 : i32
      %get3A_714 = arith.index_cast %add3A_713 : i32 to index
      %get3A_715 = tpu.vector_load %arg5[%get3A_714] {strides = array<i32>} : memref<13312xi32, #tpu.memory_space<vmem>>, vector<16xi32>,
      %add3A_716 = arith.constant 500000 : i32
      %add3A_717 = vector.broadcast %add3A_716 : i32 to vector<16xi32>
      %add3A_718 = arith.addi %get3A_715, %add3A_717 : vector<16xi32>
      %mul3A_719 = arith.constant 416 : i32
      %mul3A_720 = arith.muli %scan3A_635, %mul3A_719 : i32
      %add3A_721 = arith.constant 5 : i32
      %add3A_722 = arith.addi %mul3A_720, %add3A_721 : i32
      %add3A_723 = vector.broadcast %add3A_722 : i32 to vector<16xi32>
      %add3A_724 = arith.addi %mul3A_369, %add3A_723 : vector<16xi32>
      tpu.vector_store_idx %arg6[%add3A_724], %add3A_718 : memref<13312xi32, #tpu.memory_space<vmem>>[vector<16xi32>], vector<16xi32>,
      %mul3A_725 = arith.constant 16 : i32
      %mul3A_726 = arith.muli %scan3A_635, %mul3A_725 : i32
      %add3A_727 = arith.constant 3072 : i32
      %add3A_728 = arith.addi %add3A_727, %mul3A_726 : i32
      %get3A_729 = arith.index_cast %add3A_728 : i32 to index
      %get3A_730 = tpu.vector_load %arg5[%get3A_729] {strides = array<i32>} : memref<13312xi32, #tpu.memory_space<vmem>>, vector<16xi32>,
      %add3A_731 = arith.constant 600000 : i32
      %add3A_732 = vector.broadcast %add3A_731 : i32 to vector<16xi32>
      %add3A_733 = arith.addi %get3A_730, %add3A_732 : vector<16xi32>
      %mul3A_734 = arith.constant 416 : i32
      %mul3A_735 = arith.muli %scan3A_635, %mul3A_734 : i32
      %add3A_736 = arith.constant 6 : i32
      %add3A_737 = arith.addi %mul3A_735, %add3A_736 : i32
      %add3A_738 = vector.broadcast %add3A_737 : i32 to vector<16xi32>
      %add3A_739 = arith.addi %mul3A_369, %add3A_738 : vector<16xi32>
      tpu.vector_store_idx %arg6[%add3A_739], %add3A_733 : memref<13312xi32, #tpu.memory_space<vmem>>[vector<16xi32>], vector<16xi32>,
      %mul3A_740 = arith.constant 16 : i32
      %mul3A_741 = arith.muli %scan3A_635, %mul3A_740 : i32
      %add3A_742 = arith.constant 3584 : i32
      %add3A_743 = arith.addi %add3A_742, %mul3A_741 : i32
      %get3A_744 = arith.index_cast %add3A_743 : i32 to index
      %get3A_745 = tpu.vector_load %arg5[%get3A_744] {strides = array<i32>} : memref<13312xi32, #tpu.memory_space<vmem>>, vector<16xi32>,
      %add3A_746 = arith.constant 700000 : i32
      %add3A_747 = vector.broadcast %add3A_746 : i32 to vector<16xi32>
      %add3A_748 = arith.addi %get3A_745, %add3A_747 : vector<16xi32>
      %mul3A_749 = arith.constant 416 : i32
      %mul3A_750 = arith.muli %scan3A_635, %mul3A_749 : i32
      %add3A_751 = arith.constant 7 : i32
      %add3A_752 = arith.addi %mul3A_750, %add3A_751 : i32
      %add3A_753 = vector.broadcast %add3A_752 : i32 to vector<16xi32>
      %add3A_754 = arith.addi %mul3A_369, %add3A_753 : vector<16xi32>
      tpu.vector_store_idx %arg6[%add3A_754], %add3A_748 : memref<13312xi32, #tpu.memory_space<vmem>>[vector<16xi32>], vector<16xi32>,
      %mul3A_755 = arith.constant 16 : i32
      %mul3A_756 = arith.muli %scan3A_635, %mul3A_755 : i32
      %add3A_757 = arith.constant 4096 : i32
      %add3A_758 = arith.addi %add3A_757, %mul3A_756 : i32
      %get3A_759 = arith.index_cast %add3A_758 : i32 to index
      %get3A_760 = tpu.vector_load %arg5[%get3A_759] {strides = array<i32>} : memref<13312xi32, #tpu.memory_space<vmem>>, vector<16xi32>,
      %add3A_761 = arith.constant 800000 : i32
      %add3A_762 = vector.broadcast %add3A_761 : i32 to vector<16xi32>
      %add3A_763 = arith.addi %get3A_760, %add3A_762 : vector<16xi32>
      %mul3A_764 = arith.constant 416 : i32
      %mul3A_765 = arith.muli %scan3A_635, %mul3A_764 : i32
      %add3A_766 = arith.constant 8 : i32
      %add3A_767 = arith.addi %mul3A_765, %add3A_766 : i32
      %add3A_768 = vector.broadcast %add3A_767 : i32 to vector<16xi32>
      %add3A_769 = arith.addi %mul3A_369, %add3A_768 : vector<16xi32>
      tpu.vector_store_idx %arg6[%add3A_769], %add3A_763 : memref<13312xi32, #tpu.memory_space<vmem>>[vector<16xi32>], vector<16xi32>,
      %mul3A_770 = arith.constant 16 : i32
      %mul3A_771 = arith.muli %scan3A_635, %mul3A_770 : i32
      %add3A_772 = arith.constant 4608 : i32
      %add3A_773 = arith.addi %add3A_772, %mul3A_771 : i32
      %get3A_774 = arith.index_cast %add3A_773 : i32 to index
      %get3A_775 = tpu.vector_load %arg5[%get3A_774] {strides = array<i32>} : memref<13312xi32, #tpu.memory_space<vmem>>, vector<16xi32>,
      %add3A_776 = arith.constant 900000 : i32
      %add3A_777 = vector.broadcast %add3A_776 : i32 to vector<16xi32>
      %add3A_778 = arith.addi %get3A_775, %add3A_777 : vector<16xi32>
      %mul3A_779 = arith.constant 416 : i32
      %mul3A_780 = arith.muli %scan3A_635, %mul3A_779 : i32
      %add3A_781 = arith.constant 9 : i32
      %add3A_782 = arith.addi %mul3A_780, %add3A_781 : i32
      %add3A_783 = vector.broadcast %add3A_782 : i32 to vector<16xi32>
      %add3A_784 = arith.addi %mul3A_369, %add3A_783 : vector<16xi32>
      tpu.vector_store_idx %arg6[%add3A_784], %add3A_778 : memref<13312xi32, #tpu.memory_space<vmem>>[vector<16xi32>], vector<16xi32>,
      %mul3A_785 = arith.constant 16 : i32
      %mul3A_786 = arith.muli %scan3A_635, %mul3A_785 : i32
      %add3A_787 = arith.constant 5120 : i32
      %add3A_788 = arith.addi %add3A_787, %mul3A_786 : i32
      %get3A_789 = arith.index_cast %add3A_788 : i32 to index
      %get3A_790 = tpu.vector_load %arg5[%get3A_789] {strides = array<i32>} : memref<13312xi32, #tpu.memory_space<vmem>>, vector<16xi32>,
      %add3A_791 = arith.constant 1000000 : i32
      %add3A_792 = vector.broadcast %add3A_791 : i32 to vector<16xi32>
      %add3A_793 = arith.addi %get3A_790, %add3A_792 : vector<16xi32>
      %mul3A_794 = arith.constant 416 : i32
      %mul3A_795 = arith.muli %scan3A_635, %mul3A_794 : i32
      %add3A_796 = arith.constant 10 : i32
      %add3A_797 = arith.addi %mul3A_795, %add3A_796 : i32
      %add3A_798 = vector.broadcast %add3A_797 : i32 to vector<16xi32>
      %add3A_799 = arith.addi %mul3A_369, %add3A_798 : vector<16xi32>
      tpu.vector_store_idx %arg6[%add3A_799], %add3A_793 : memref<13312xi32, #tpu.memory_space<vmem>>[vector<16xi32>], vector<16xi32>,
      %mul3A_800 = arith.constant 16 : i32
      %mul3A_801 = arith.muli %scan3A_635, %mul3A_800 : i32
      %add3A_802 = arith.constant 5632 : i32
      %add3A_803 = arith.addi %add3A_802, %mul3A_801 : i32
      %get3A_804 = arith.index_cast %add3A_803 : i32 to index
      %get3A_805 = tpu.vector_load %arg5[%get3A_804] {strides = array<i32>} : memref<13312xi32, #tpu.memory_space<vmem>>, vector<16xi32>,
      %add3A_806 = arith.constant 1100000 : i32
      %add3A_807 = vector.broadcast %add3A_806 : i32 to vector<16xi32>
      %add3A_808 = arith.addi %get3A_805, %add3A_807 : vector<16xi32>
      %mul3A_809 = arith.constant 416 : i32
      %mul3A_810 = arith.muli %scan3A_635, %mul3A_809 : i32
      %add3A_811 = arith.constant 11 : i32
      %add3A_812 = arith.addi %mul3A_810, %add3A_811 : i32
      %add3A_813 = vector.broadcast %add3A_812 : i32 to vector<16xi32>
      %add3A_814 = arith.addi %mul3A_369, %add3A_813 : vector<16xi32>
      tpu.vector_store_idx %arg6[%add3A_814], %add3A_808 : memref<13312xi32, #tpu.memory_space<vmem>>[vector<16xi32>], vector<16xi32>,
      %mul3A_815 = arith.constant 16 : i32
      %mul3A_816 = arith.muli %scan3A_635, %mul3A_815 : i32
      %add3A_817 = arith.constant 6144 : i32
      %add3A_818 = arith.addi %add3A_817, %mul3A_816 : i32
      %get3A_819 = arith.index_cast %add3A_818 : i32 to index
      %get3A_820 = tpu.vector_load %arg5[%get3A_819] {strides = array<i32>} : memref<13312xi32, #tpu.memory_space<vmem>>, vector<16xi32>,
      %add3A_821 = arith.constant 1200000 : i32
      %add3A_822 = vector.broadcast %add3A_821 : i32 to vector<16xi32>
      %add3A_823 = arith.addi %get3A_820, %add3A_822 : vector<16xi32>
      %mul3A_824 = arith.constant 416 : i32
      %mul3A_825 = arith.muli %scan3A_635, %mul3A_824 : i32
      %add3A_826 = arith.constant 12 : i32
      %add3A_827 = arith.addi %mul3A_825, %add3A_826 : i32
      %add3A_828 = vector.broadcast %add3A_827 : i32 to vector<16xi32>
      %add3A_829 = arith.addi %mul3A_369, %add3A_828 : vector<16xi32>
      tpu.vector_store_idx %arg6[%add3A_829], %add3A_823 : memref<13312xi32, #tpu.memory_space<vmem>>[vector<16xi32>], vector<16xi32>,
      %mul3A_830 = arith.constant 16 : i32
      %mul3A_831 = arith.muli %scan3A_635, %mul3A_830 : i32
      %add3A_832 = arith.constant 6656 : i32
      %add3A_833 = arith.addi %add3A_832, %mul3A_831 : i32
      %get3A_834 = arith.index_cast %add3A_833 : i32 to index
      %get3A_835 = tpu.vector_load %arg5[%get3A_834] {strides = array<i32>} : memref<13312xi32, #tpu.memory_space<vmem>>, vector<16xi32>,
      %add3A_836 = arith.constant 1300000 : i32
      %add3A_837 = vector.broadcast %add3A_836 : i32 to vector<16xi32>
      %add3A_838 = arith.addi %get3A_835, %add3A_837 : vector<16xi32>
      %mul3A_839 = arith.constant 416 : i32
      %mul3A_840 = arith.muli %scan3A_635, %mul3A_839 : i32
      %add3A_841 = arith.constant 13 : i32
      %add3A_842 = arith.addi %mul3A_840, %add3A_841 : i32
      %add3A_843 = vector.broadcast %add3A_842 : i32 to vector<16xi32>
      %add3A_844 = arith.addi %mul3A_369, %add3A_843 : vector<16xi32>
      tpu.vector_store_idx %arg6[%add3A_844], %add3A_838 : memref<13312xi32, #tpu.memory_space<vmem>>[vector<16xi32>], vector<16xi32>,
      %mul3A_845 = arith.constant 16 : i32
      %mul3A_846 = arith.muli %scan3A_635, %mul3A_845 : i32
      %add3A_847 = arith.constant 7168 : i32
      %add3A_848 = arith.addi %add3A_847, %mul3A_846 : i32
      %get3A_849 = arith.index_cast %add3A_848 : i32 to index
      %get3A_850 = tpu.vector_load %arg5[%get3A_849] {strides = array<i32>} : memref<13312xi32, #tpu.memory_space<vmem>>, vector<16xi32>,
      %add3A_851 = arith.constant 1400000 : i32
      %add3A_852 = vector.broadcast %add3A_851 : i32 to vector<16xi32>
      %add3A_853 = arith.addi %get3A_850, %add3A_852 : vector<16xi32>
      %mul3A_854 = arith.constant 416 : i32
      %mul3A_855 = arith.muli %scan3A_635, %mul3A_854 : i32
      %add3A_856 = arith.constant 14 : i32
      %add3A_857 = arith.addi %mul3A_855, %add3A_856 : i32
      %add3A_858 = vector.broadcast %add3A_857 : i32 to vector<16xi32>
      %add3A_859 = arith.addi %mul3A_369, %add3A_858 : vector<16xi32>
      tpu.vector_store_idx %arg6[%add3A_859], %add3A_853 : memref<13312xi32, #tpu.memory_space<vmem>>[vector<16xi32>], vector<16xi32>,
      %mul3A_860 = arith.constant 16 : i32
      %mul3A_861 = arith.muli %scan3A_635, %mul3A_860 : i32
      %add3A_862 = arith.constant 7680 : i32
      %add3A_863 = arith.addi %add3A_862, %mul3A_861 : i32
      %get3A_864 = arith.index_cast %add3A_863 : i32 to index
      %get3A_865 = tpu.vector_load %arg5[%get3A_864] {strides = array<i32>} : memref<13312xi32, #tpu.memory_space<vmem>>, vector<16xi32>,
      %add3A_866 = arith.constant 1500000 : i32
      %add3A_867 = vector.broadcast %add3A_866 : i32 to vector<16xi32>
      %add3A_868 = arith.addi %get3A_865, %add3A_867 : vector<16xi32>
      %mul3A_869 = arith.constant 416 : i32
      %mul3A_870 = arith.muli %scan3A_635, %mul3A_869 : i32
      %add3A_871 = arith.constant 15 : i32
      %add3A_872 = arith.addi %mul3A_870, %add3A_871 : i32
      %add3A_873 = vector.broadcast %add3A_872 : i32 to vector<16xi32>
      %add3A_874 = arith.addi %mul3A_369, %add3A_873 : vector<16xi32>
      tpu.vector_store_idx %arg6[%add3A_874], %add3A_868 : memref<13312xi32, #tpu.memory_space<vmem>>[vector<16xi32>], vector<16xi32>,
      %mul3A_875 = arith.constant 16 : i32
      %mul3A_876 = arith.muli %scan3A_635, %mul3A_875 : i32
      %add3A_877 = arith.constant 8192 : i32
      %add3A_878 = arith.addi %add3A_877, %mul3A_876 : i32
      %get3A_879 = arith.index_cast %add3A_878 : i32 to index
      %get3A_880 = tpu.vector_load %arg5[%get3A_879] {strides = array<i32>} : memref<13312xi32, #tpu.memory_space<vmem>>, vector<16xi32>,
      %add3A_881 = arith.constant 1600000 : i32
      %add3A_882 = vector.broadcast %add3A_881 : i32 to vector<16xi32>
      %add3A_883 = arith.addi %get3A_880, %add3A_882 : vector<16xi32>
      %mul3A_884 = arith.constant 416 : i32
      %mul3A_885 = arith.muli %scan3A_635, %mul3A_884 : i32
      %add3A_886 = arith.constant 16 : i32
      %add3A_887 = arith.addi %mul3A_885, %add3A_886 : i32
      %add3A_888 = vector.broadcast %add3A_887 : i32 to vector<16xi32>
      %add3A_889 = arith.addi %mul3A_369, %add3A_888 : vector<16xi32>
      tpu.vector_store_idx %arg6[%add3A_889], %add3A_883 : memref<13312xi32, #tpu.memory_space<vmem>>[vector<16xi32>], vector<16xi32>,
      %mul3A_890 = arith.constant 16 : i32
      %mul3A_891 = arith.muli %scan3A_635, %mul3A_890 : i32
      %add3A_892 = arith.constant 8704 : i32
      %add3A_893 = arith.addi %add3A_892, %mul3A_891 : i32
      %get3A_894 = arith.index_cast %add3A_893 : i32 to index
      %get3A_895 = tpu.vector_load %arg5[%get3A_894] {strides = array<i32>} : memref<13312xi32, #tpu.memory_space<vmem>>, vector<16xi32>,
      %add3A_896 = arith.constant 1700000 : i32
      %add3A_897 = vector.broadcast %add3A_896 : i32 to vector<16xi32>
      %add3A_898 = arith.addi %get3A_895, %add3A_897 : vector<16xi32>
      %mul3A_899 = arith.constant 416 : i32
      %mul3A_900 = arith.muli %scan3A_635, %mul3A_899 : i32
      %add3A_901 = arith.constant 17 : i32
      %add3A_902 = arith.addi %mul3A_900, %add3A_901 : i32
      %add3A_903 = vector.broadcast %add3A_902 : i32 to vector<16xi32>
      %add3A_904 = arith.addi %mul3A_369, %add3A_903 : vector<16xi32>
      tpu.vector_store_idx %arg6[%add3A_904], %add3A_898 : memref<13312xi32, #tpu.memory_space<vmem>>[vector<16xi32>], vector<16xi32>,
      %mul3A_905 = arith.constant 16 : i32
      %mul3A_906 = arith.muli %scan3A_635, %mul3A_905 : i32
      %add3A_907 = arith.constant 9216 : i32
      %add3A_908 = arith.addi %add3A_907, %mul3A_906 : i32
      %get3A_909 = arith.index_cast %add3A_908 : i32 to index
      %get3A_910 = tpu.vector_load %arg5[%get3A_909] {strides = array<i32>} : memref<13312xi32, #tpu.memory_space<vmem>>, vector<16xi32>,
      %add3A_911 = arith.constant 1800000 : i32
      %add3A_912 = vector.broadcast %add3A_911 : i32 to vector<16xi32>
      %add3A_913 = arith.addi %get3A_910, %add3A_912 : vector<16xi32>
      %mul3A_914 = arith.constant 416 : i32
      %mul3A_915 = arith.muli %scan3A_635, %mul3A_914 : i32
      %add3A_916 = arith.constant 18 : i32
      %add3A_917 = arith.addi %mul3A_915, %add3A_916 : i32
      %add3A_918 = vector.broadcast %add3A_917 : i32 to vector<16xi32>
      %add3A_919 = arith.addi %mul3A_369, %add3A_918 : vector<16xi32>
      tpu.vector_store_idx %arg6[%add3A_919], %add3A_913 : memref<13312xi32, #tpu.memory_space<vmem>>[vector<16xi32>], vector<16xi32>,
      %mul3A_920 = arith.constant 16 : i32
      %mul3A_921 = arith.muli %scan3A_635, %mul3A_920 : i32
      %add3A_922 = arith.constant 9728 : i32
      %add3A_923 = arith.addi %add3A_922, %mul3A_921 : i32
      %get3A_924 = arith.index_cast %add3A_923 : i32 to index
      %get3A_925 = tpu.vector_load %arg5[%get3A_924] {strides = array<i32>} : memref<13312xi32, #tpu.memory_space<vmem>>, vector<16xi32>,
      %add3A_926 = arith.constant 1900000 : i32
      %add3A_927 = vector.broadcast %add3A_926 : i32 to vector<16xi32>
      %add3A_928 = arith.addi %get3A_925, %add3A_927 : vector<16xi32>
      %mul3A_929 = arith.constant 416 : i32
      %mul3A_930 = arith.muli %scan3A_635, %mul3A_929 : i32
      %add3A_931 = arith.constant 19 : i32
      %add3A_932 = arith.addi %mul3A_930, %add3A_931 : i32
      %add3A_933 = vector.broadcast %add3A_932 : i32 to vector<16xi32>
      %add3A_934 = arith.addi %mul3A_369, %add3A_933 : vector<16xi32>
      tpu.vector_store_idx %arg6[%add3A_934], %add3A_928 : memref<13312xi32, #tpu.memory_space<vmem>>[vector<16xi32>], vector<16xi32>,
      %mul3A_935 = arith.constant 16 : i32
      %mul3A_936 = arith.muli %scan3A_635, %mul3A_935 : i32
      %add3A_937 = arith.constant 10240 : i32
      %add3A_938 = arith.addi %add3A_937, %mul3A_936 : i32
      %get3A_939 = arith.index_cast %add3A_938 : i32 to index
      %get3A_940 = tpu.vector_load %arg5[%get3A_939] {strides = array<i32>} : memref<13312xi32, #tpu.memory_space<vmem>>, vector<16xi32>,
      %add3A_941 = arith.constant 2000000 : i32
      %add3A_942 = vector.broadcast %add3A_941 : i32 to vector<16xi32>
      %add3A_943 = arith.addi %get3A_940, %add3A_942 : vector<16xi32>
      %mul3A_944 = arith.constant 416 : i32
      %mul3A_945 = arith.muli %scan3A_635, %mul3A_944 : i32
      %add3A_946 = arith.constant 20 : i32
      %add3A_947 = arith.addi %mul3A_945, %add3A_946 : i32
      %add3A_948 = vector.broadcast %add3A_947 : i32 to vector<16xi32>
      %add3A_949 = arith.addi %mul3A_369, %add3A_948 : vector<16xi32>
      tpu.vector_store_idx %arg6[%add3A_949], %add3A_943 : memref<13312xi32, #tpu.memory_space<vmem>>[vector<16xi32>], vector<16xi32>,
      %mul3A_950 = arith.constant 16 : i32
      %mul3A_951 = arith.muli %scan3A_635, %mul3A_950 : i32
      %add3A_952 = arith.constant 10752 : i32
      %add3A_953 = arith.addi %add3A_952, %mul3A_951 : i32
      %get3A_954 = arith.index_cast %add3A_953 : i32 to index
      %get3A_955 = tpu.vector_load %arg5[%get3A_954] {strides = array<i32>} : memref<13312xi32, #tpu.memory_space<vmem>>, vector<16xi32>,
      %add3A_956 = arith.constant 2100000 : i32
      %add3A_957 = vector.broadcast %add3A_956 : i32 to vector<16xi32>
      %add3A_958 = arith.addi %get3A_955, %add3A_957 : vector<16xi32>
      %mul3A_959 = arith.constant 416 : i32
      %mul3A_960 = arith.muli %scan3A_635, %mul3A_959 : i32
      %add3A_961 = arith.constant 21 : i32
      %add3A_962 = arith.addi %mul3A_960, %add3A_961 : i32
      %add3A_963 = vector.broadcast %add3A_962 : i32 to vector<16xi32>
      %add3A_964 = arith.addi %mul3A_369, %add3A_963 : vector<16xi32>
      tpu.vector_store_idx %arg6[%add3A_964], %add3A_958 : memref<13312xi32, #tpu.memory_space<vmem>>[vector<16xi32>], vector<16xi32>,
      %mul3A_965 = arith.constant 16 : i32
      %mul3A_966 = arith.muli %scan3A_635, %mul3A_965 : i32
      %add3A_967 = arith.constant 11264 : i32
      %add3A_968 = arith.addi %add3A_967, %mul3A_966 : i32
      %get3A_969 = arith.index_cast %add3A_968 : i32 to index
      %get3A_970 = tpu.vector_load %arg5[%get3A_969] {strides = array<i32>} : memref<13312xi32, #tpu.memory_space<vmem>>, vector<16xi32>,
      %add3A_971 = arith.constant 2200000 : i32
      %add3A_972 = vector.broadcast %add3A_971 : i32 to vector<16xi32>
      %add3A_973 = arith.addi %get3A_970, %add3A_972 : vector<16xi32>
      %mul3A_974 = arith.constant 416 : i32
      %mul3A_975 = arith.muli %scan3A_635, %mul3A_974 : i32
      %add3A_976 = arith.constant 22 : i32
      %add3A_977 = arith.addi %mul3A_975, %add3A_976 : i32
      %add3A_978 = vector.broadcast %add3A_977 : i32 to vector<16xi32>
      %add3A_979 = arith.addi %mul3A_369, %add3A_978 : vector<16xi32>
      tpu.vector_store_idx %arg6[%add3A_979], %add3A_973 : memref<13312xi32, #tpu.memory_space<vmem>>[vector<16xi32>], vector<16xi32>,
      %mul3A_980 = arith.constant 16 : i32
      %mul3A_981 = arith.muli %scan3A_635, %mul3A_980 : i32
      %add3A_982 = arith.constant 11776 : i32
      %add3A_983 = arith.addi %add3A_982, %mul3A_981 : i32
      %get3A_984 = arith.index_cast %add3A_983 : i32 to index
      %get3A_985 = tpu.vector_load %arg5[%get3A_984] {strides = array<i32>} : memref<13312xi32, #tpu.memory_space<vmem>>, vector<16xi32>,
      %add3A_986 = arith.constant 2300000 : i32
      %add3A_987 = vector.broadcast %add3A_986 : i32 to vector<16xi32>
      %add3A_988 = arith.addi %get3A_985, %add3A_987 : vector<16xi32>
      %mul3A_989 = arith.constant 416 : i32
      %mul3A_990 = arith.muli %scan3A_635, %mul3A_989 : i32
      %add3A_991 = arith.constant 23 : i32
      %add3A_992 = arith.addi %mul3A_990, %add3A_991 : i32
      %add3A_993 = vector.broadcast %add3A_992 : i32 to vector<16xi32>
      %add3A_994 = arith.addi %mul3A_369, %add3A_993 : vector<16xi32>
      tpu.vector_store_idx %arg6[%add3A_994], %add3A_988 : memref<13312xi32, #tpu.memory_space<vmem>>[vector<16xi32>], vector<16xi32>,
      %mul3A_995 = arith.constant 16 : i32
      %mul3A_996 = arith.muli %scan3A_635, %mul3A_995 : i32
      %add3A_997 = arith.constant 12288 : i32
      %add3A_998 = arith.addi %add3A_997, %mul3A_996 : i32
      %get3A_999 = arith.index_cast %add3A_998 : i32 to index
      %get3A_1000 = tpu.vector_load %arg5[%get3A_999] {strides = array<i32>} : memref<13312xi32, #tpu.memory_space<vmem>>, vector<16xi32>,
      %add3A_1001 = arith.constant 2400000 : i32
      %add3A_1002 = vector.broadcast %add3A_1001 : i32 to vector<16xi32>
      %add3A_1003 = arith.addi %get3A_1000, %add3A_1002 : vector<16xi32>
      %mul3A_1004 = arith.constant 416 : i32
      %mul3A_1005 = arith.muli %scan3A_635, %mul3A_1004 : i32
      %add3A_1006 = arith.constant 24 : i32
      %add3A_1007 = arith.addi %mul3A_1005, %add3A_1006 : i32
      %add3A_1008 = vector.broadcast %add3A_1007 : i32 to vector<16xi32>
      %add3A_1009 = arith.addi %mul3A_369, %add3A_1008 : vector<16xi32>
      tpu.vector_store_idx %arg6[%add3A_1009], %add3A_1003 : memref<13312xi32, #tpu.memory_space<vmem>>[vector<16xi32>], vector<16xi32>,
      %mul3A_1010 = arith.constant 16 : i32
      %mul3A_1011 = arith.muli %scan3A_635, %mul3A_1010 : i32
      %add3A_1012 = arith.constant 12800 : i32
      %add3A_1013 = arith.addi %add3A_1012, %mul3A_1011 : i32
      %get3A_1014 = arith.index_cast %add3A_1013 : i32 to index
      %get3A_1015 = tpu.vector_load %arg5[%get3A_1014] {strides = array<i32>} : memref<13312xi32, #tpu.memory_space<vmem>>, vector<16xi32>,
      %add3A_1016 = arith.constant 2500000 : i32
      %add3A_1017 = vector.broadcast %add3A_1016 : i32 to vector<16xi32>
      %add3A_1018 = arith.addi %get3A_1015, %add3A_1017 : vector<16xi32>
      %mul3A_1019 = arith.constant 416 : i32
      %mul3A_1020 = arith.muli %scan3A_635, %mul3A_1019 : i32
      %add3A_1021 = arith.constant 25 : i32
      %add3A_1022 = arith.addi %mul3A_1020, %add3A_1021 : i32
      %add3A_1023 = vector.broadcast %add3A_1022 : i32 to vector<16xi32>
      %add3A_1024 = arith.addi %mul3A_369, %add3A_1023 : vector<16xi32>
      tpu.vector_store_idx %arg6[%add3A_1024], %add3A_1018 : memref<13312xi32, #tpu.memory_space<vmem>>[vector<16xi32>], vector<16xi32>,
    }
    %scan3A_374 = arith.constant 32 : i32
    %dma_start3A_375 = arith.constant 0 : i32
    %dma_start3A_376 = tpu.memref_slice %arg6[%dma_start3A_375] : memref<13312xi32, #tpu.memory_space<vmem>> -> memref<1024xi32, #tpu.memory_space<vmem>>
    %dma_start3A_377 = arith.constant 0 : i32
    %dma_start3A_378 = arith.constant 0 : i32
    %dma_start3A_379 = tpu.memref_slice %arg2[%dma_start3A_377, %dma_start3A_378] : memref<2600000x32xf32, #tpu.memory_space<hbm>> -> memref<2600000x32xf32, #tpu.memory_space<hbm>>
    tpu.enqueue_indirect_dma source(%dma_start3A_379 : memref<2600000x32xf32, #tpu.memory_space<hbm>>) target(%arg7 : memref<1024x32xf32, #tpu.memory_space<vmem>>) offsets(%dma_start3A_376 : memref<1024xi32, #tpu.memory_space<vmem>>) semaphore(%arg10 : memref<!tpu.dma_semaphore, #tpu.memory_space<semaphore_mem>>)
    %dma_wait3A_380 = arith.constant 0 : i32
    %dma_wait3A_381 = tpu.memref_slice %arg6[%dma_wait3A_380] : memref<13312xi32, #tpu.memory_space<vmem>> -> memref<1024xi32, #tpu.memory_space<vmem>>
    %dma_wait3A_382 = arith.constant 0 : i32
    %dma_wait3A_383 = arith.constant 0 : i32
    %dma_wait3A_384 = tpu.memref_slice %arg2[%dma_wait3A_382, %dma_wait3A_383] : memref<2600000x32xf32, #tpu.memory_space<hbm>> -> memref<2600000x32xf32, #tpu.memory_space<hbm>>
    tpu.wait_indirect_dma semaphore(%arg10 : memref<!tpu.dma_semaphore, #tpu.memory_space<semaphore_mem>>) src(%dma_wait3A_384 : memref<2600000x32xf32, #tpu.memory_space<hbm>>) dst(%arg7 : memref<1024x32xf32, #tpu.memory_space<vmem>>)
    %add3A_385 = arith.constant 0 : i32
    %add3A_386 = arith.addi %mul3A_4, %add3A_385 : i32
    %dma_start3A_387 = arith.constant 0 : i32
    %dma_start3A_388 = tpu.memref_slice %arg4[%add3A_386, %dma_start3A_387] : memref<425984x32xf32, #tpu.memory_space<hbm>> -> memref<1024x32xf32, #tpu.memory_space<hbm>>
    %dma_start3A_389 = arith.constant 0 : i32
    %dma_start3A_390 = tpu.memref_slice %arg4[%add3A_386, %dma_start3A_389] : memref<425984x32xf32, #tpu.memory_space<hbm>> -> memref<1024x32xf32, #tpu.memory_space<hbm>>
    tpu.enqueue_dma source(%arg7 : memref<1024x32xf32, #tpu.memory_space<vmem>>) target(%dma_start3A_390 : memref<1024x32xf32, #tpu.memory_space<hbm>>) target_semaphore(%arg11 : memref<!tpu.dma_semaphore, #tpu.memory_space<semaphore_mem>>)
    %dma_start3A_391 = arith.constant 1024 : i32
    %dma_start3A_392 = tpu.memref_slice %arg6[%dma_start3A_391] : memref<13312xi32, #tpu.memory_space<vmem>> -> memref<1024xi32, #tpu.memory_space<vmem>>
    %dma_start3A_393 = arith.constant 0 : i32
    %dma_start3A_394 = arith.constant 0 : i32
    %dma_start3A_395 = tpu.memref_slice %arg2[%dma_start3A_393, %dma_start3A_394] : memref<2600000x32xf32, #tpu.memory_space<hbm>> -> memref<2600000x32xf32, #tpu.memory_space<hbm>>
    tpu.enqueue_indirect_dma source(%dma_start3A_395 : memref<2600000x32xf32, #tpu.memory_space<hbm>>) target(%arg8 : memref<1024x32xf32, #tpu.memory_space<vmem>>) offsets(%dma_start3A_392 : memref<1024xi32, #tpu.memory_space<vmem>>) semaphore(%arg10 : memref<!tpu.dma_semaphore, #tpu.memory_space<semaphore_mem>>)
    %dma_wait3A_396 = arith.constant 1024 : i32
    %dma_wait3A_397 = tpu.memref_slice %arg6[%dma_wait3A_396] : memref<13312xi32, #tpu.memory_space<vmem>> -> memref<1024xi32, #tpu.memory_space<vmem>>
    %dma_wait3A_398 = arith.constant 0 : i32
    %dma_wait3A_399 = arith.constant 0 : i32
    %dma_wait3A_400 = tpu.memref_slice %arg2[%dma_wait3A_398, %dma_wait3A_399] : memref<2600000x32xf32, #tpu.memory_space<hbm>> -> memref<2600000x32xf32, #tpu.memory_space<hbm>>
    tpu.wait_indirect_dma semaphore(%arg10 : memref<!tpu.dma_semaphore, #tpu.memory_space<semaphore_mem>>) src(%dma_wait3A_400 : memref<2600000x32xf32, #tpu.memory_space<hbm>>) dst(%arg8 : memref<1024x32xf32, #tpu.memory_space<vmem>>)
    %add3A_401 = arith.constant 1024 : i32
    %add3A_402 = arith.addi %mul3A_4, %add3A_401 : i32
    %dma_start3A_403 = arith.constant 0 : i32
    %dma_start3A_404 = tpu.memref_slice %arg4[%add3A_402, %dma_start3A_403] : memref<425984x32xf32, #tpu.memory_space<hbm>> -> memref<1024x32xf32, #tpu.memory_space<hbm>>
    %dma_start3A_405 = arith.constant 0 : i32
    %dma_start3A_406 = tpu.memref_slice %arg4[%add3A_402, %dma_start3A_405] : memref<425984x32xf32, #tpu.memory_space<hbm>> -> memref<1024x32xf32, #tpu.memory_space<hbm>>
    tpu.enqueue_dma source(%arg8 : memref<1024x32xf32, #tpu.memory_space<vmem>>) target(%dma_start3A_406 : memref<1024x32xf32, #tpu.memory_space<hbm>>) target_semaphore(%arg11 : memref<!tpu.dma_semaphore, #tpu.memory_space<semaphore_mem>>)
    %dma_wait3A_407 = arith.constant 0 : i32
    %dma_wait3A_408 = tpu.memref_slice %arg4[%add3A_386, %dma_wait3A_407] : memref<425984x32xf32, #tpu.memory_space<hbm>> -> memref<1024x32xf32, #tpu.memory_space<hbm>>
    %dma_wait3A_409 = arith.constant 0 : i32
    %dma_wait3A_410 = tpu.memref_slice %arg4[%add3A_386, %dma_wait3A_409] : memref<425984x32xf32, #tpu.memory_space<hbm>> -> memref<1024x32xf32, #tpu.memory_space<hbm>>
    tpu.wait_dma2 semaphore(%arg11 : memref<!tpu.dma_semaphore, #tpu.memory_space<semaphore_mem>>) src(%arg7 : memref<1024x32xf32, #tpu.memory_space<vmem>>) dst(%dma_wait3A_410 : memref<1024x32xf32, #tpu.memory_space<hbm>>)
    %dma_start3A_411 = arith.constant 2048 : i32
    %dma_start3A_412 = tpu.memref_slice %arg6[%dma_start3A_411] : memref<13312xi32, #tpu.memory_space<vmem>> -> memref<1024xi32, #tpu.memory_space<vmem>>
    %dma_start3A_413 = arith.constant 0 : i32
    %dma_start3A_414 = arith.constant 0 : i32
    %dma_start3A_415 = tpu.memref_slice %arg2[%dma_start3A_413, %dma_start3A_414] : memref<2600000x32xf32, #tpu.memory_space<hbm>> -> memref<2600000x32xf32, #tpu.memory_space<hbm>>
    tpu.enqueue_indirect_dma source(%dma_start3A_415 : memref<2600000x32xf32, #tpu.memory_space<hbm>>) target(%arg7 : memref<1024x32xf32, #tpu.memory_space<vmem>>) offsets(%dma_start3A_412 : memref<1024xi32, #tpu.memory_space<vmem>>) semaphore(%arg10 : memref<!tpu.dma_semaphore, #tpu.memory_space<semaphore_mem>>)
    %dma_wait3A_416 = arith.constant 2048 : i32
    %dma_wait3A_417 = tpu.memref_slice %arg6[%dma_wait3A_416] : memref<13312xi32, #tpu.memory_space<vmem>> -> memref<1024xi32, #tpu.memory_space<vmem>>
    %dma_wait3A_418 = arith.constant 0 : i32
    %dma_wait3A_419 = arith.constant 0 : i32
    %dma_wait3A_420 = tpu.memref_slice %arg2[%dma_wait3A_418, %dma_wait3A_419] : memref<2600000x32xf32, #tpu.memory_space<hbm>> -> memref<2600000x32xf32, #tpu.memory_space<hbm>>
    tpu.wait_indirect_dma semaphore(%arg10 : memref<!tpu.dma_semaphore, #tpu.memory_space<semaphore_mem>>) src(%dma_wait3A_420 : memref<2600000x32xf32, #tpu.memory_space<hbm>>) dst(%arg7 : memref<1024x32xf32, #tpu.memory_space<vmem>>)
    %add3A_421 = arith.constant 2048 : i32
    %add3A_422 = arith.addi %mul3A_4, %add3A_421 : i32
    %dma_start3A_423 = arith.constant 0 : i32
    %dma_start3A_424 = tpu.memref_slice %arg4[%add3A_422, %dma_start3A_423] : memref<425984x32xf32, #tpu.memory_space<hbm>> -> memref<1024x32xf32, #tpu.memory_space<hbm>>
    %dma_start3A_425 = arith.constant 0 : i32
    %dma_start3A_426 = tpu.memref_slice %arg4[%add3A_422, %dma_start3A_425] : memref<425984x32xf32, #tpu.memory_space<hbm>> -> memref<1024x32xf32, #tpu.memory_space<hbm>>
    tpu.enqueue_dma source(%arg7 : memref<1024x32xf32, #tpu.memory_space<vmem>>) target(%dma_start3A_426 : memref<1024x32xf32, #tpu.memory_space<hbm>>) target_semaphore(%arg11 : memref<!tpu.dma_semaphore, #tpu.memory_space<semaphore_mem>>)
    %dma_wait3A_427 = arith.constant 0 : i32
    %dma_wait3A_428 = tpu.memref_slice %arg4[%add3A_402, %dma_wait3A_427] : memref<425984x32xf32, #tpu.memory_space<hbm>> -> memref<1024x32xf32, #tpu.memory_space<hbm>>
    %dma_wait3A_429 = arith.constant 0 : i32
    %dma_wait3A_430 = tpu.memref_slice %arg4[%add3A_402, %dma_wait3A_429] : memref<425984x32xf32, #tpu.memory_space<hbm>> -> memref<1024x32xf32, #tpu.memory_space<hbm>>
    tpu.wait_dma2 semaphore(%arg11 : memref<!tpu.dma_semaphore, #tpu.memory_space<semaphore_mem>>) src(%arg8 : memref<1024x32xf32, #tpu.memory_space<vmem>>) dst(%dma_wait3A_430 : memref<1024x32xf32, #tpu.memory_space<hbm>>)
    %dma_start3A_431 = arith.constant 3072 : i32
    %dma_start3A_432 = tpu.memref_slice %arg6[%dma_start3A_431] : memref<13312xi32, #tpu.memory_space<vmem>> -> memref<1024xi32, #tpu.memory_space<vmem>>
    %dma_start3A_433 = arith.constant 0 : i32
    %dma_start3A_434 = arith.constant 0 : i32
    %dma_start3A_435 = tpu.memref_slice %arg2[%dma_start3A_433, %dma_start3A_434] : memref<2600000x32xf32, #tpu.memory_space<hbm>> -> memref<2600000x32xf32, #tpu.memory_space<hbm>>
    tpu.enqueue_indirect_dma source(%dma_start3A_435 : memref<2600000x32xf32, #tpu.memory_space<hbm>>) target(%arg8 : memref<1024x32xf32, #tpu.memory_space<vmem>>) offsets(%dma_start3A_432 : memref<1024xi32, #tpu.memory_space<vmem>>) semaphore(%arg10 : memref<!tpu.dma_semaphore, #tpu.memory_space<semaphore_mem>>)
    %dma_wait3A_436 = arith.constant 3072 : i32
    %dma_wait3A_437 = tpu.memref_slice %arg6[%dma_wait3A_436] : memref<13312xi32, #tpu.memory_space<vmem>> -> memref<1024xi32, #tpu.memory_space<vmem>>
    %dma_wait3A_438 = arith.constant 0 : i32
    %dma_wait3A_439 = arith.constant 0 : i32
    %dma_wait3A_440 = tpu.memref_slice %arg2[%dma_wait3A_438, %dma_wait3A_439] : memref<2600000x32xf32, #tpu.memory_space<hbm>> -> memref<2600000x32xf32, #tpu.memory_space<hbm>>
    tpu.wait_indirect_dma semaphore(%arg10 : memref<!tpu.dma_semaphore, #tpu.memory_space<semaphore_mem>>) src(%dma_wait3A_440 : memref<2600000x32xf32, #tpu.memory_space<hbm>>) dst(%arg8 : memref<1024x32xf32, #tpu.memory_space<vmem>>)
    %add3A_441 = arith.constant 3072 : i32
    %add3A_442 = arith.addi %mul3A_4, %add3A_441 : i32
    %dma_start3A_443 = arith.constant 0 : i32
    %dma_start3A_444 = tpu.memref_slice %arg4[%add3A_442, %dma_start3A_443] : memref<425984x32xf32, #tpu.memory_space<hbm>> -> memref<1024x32xf32, #tpu.memory_space<hbm>>
    %dma_start3A_445 = arith.constant 0 : i32
    %dma_start3A_446 = tpu.memref_slice %arg4[%add3A_442, %dma_start3A_445] : memref<425984x32xf32, #tpu.memory_space<hbm>> -> memref<1024x32xf32, #tpu.memory_space<hbm>>
    tpu.enqueue_dma source(%arg8 : memref<1024x32xf32, #tpu.memory_space<vmem>>) target(%dma_start3A_446 : memref<1024x32xf32, #tpu.memory_space<hbm>>) target_semaphore(%arg11 : memref<!tpu.dma_semaphore, #tpu.memory_space<semaphore_mem>>)
    %dma_wait3A_447 = arith.constant 0 : i32
    %dma_wait3A_448 = tpu.memref_slice %arg4[%add3A_422, %dma_wait3A_447] : memref<425984x32xf32, #tpu.memory_space<hbm>> -> memref<1024x32xf32, #tpu.memory_space<hbm>>
    %dma_wait3A_449 = arith.constant 0 : i32
    %dma_wait3A_450 = tpu.memref_slice %arg4[%add3A_422, %dma_wait3A_449] : memref<425984x32xf32, #tpu.memory_space<hbm>> -> memref<1024x32xf32, #tpu.memory_space<hbm>>
    tpu.wait_dma2 semaphore(%arg11 : memref<!tpu.dma_semaphore, #tpu.memory_space<semaphore_mem>>) src(%arg7 : memref<1024x32xf32, #tpu.memory_space<vmem>>) dst(%dma_wait3A_450 : memref<1024x32xf32, #tpu.memory_space<hbm>>)
    %dma_start3A_451 = arith.constant 4096 : i32
    %dma_start3A_452 = tpu.memref_slice %arg6[%dma_start3A_451] : memref<13312xi32, #tpu.memory_space<vmem>> -> memref<1024xi32, #tpu.memory_space<vmem>>
    %dma_start3A_453 = arith.constant 0 : i32
    %dma_start3A_454 = arith.constant 0 : i32
    %dma_start3A_455 = tpu.memref_slice %arg2[%dma_start3A_453, %dma_start3A_454] : memref<2600000x32xf32, #tpu.memory_space<hbm>> -> memref<2600000x32xf32, #tpu.memory_space<hbm>>
    tpu.enqueue_indirect_dma source(%dma_start3A_455 : memref<2600000x32xf32, #tpu.memory_space<hbm>>) target(%arg7 : memref<1024x32xf32, #tpu.memory_space<vmem>>) offsets(%dma_start3A_452 : memref<1024xi32, #tpu.memory_space<vmem>>) semaphore(%arg10 : memref<!tpu.dma_semaphore, #tpu.memory_space<semaphore_mem>>)
    %dma_wait3A_456 = arith.constant 4096 : i32
    %dma_wait3A_457 = tpu.memref_slice %arg6[%dma_wait3A_456] : memref<13312xi32, #tpu.memory_space<vmem>> -> memref<1024xi32, #tpu.memory_space<vmem>>
    %dma_wait3A_458 = arith.constant 0 : i32
    %dma_wait3A_459 = arith.constant 0 : i32
    %dma_wait3A_460 = tpu.memref_slice %arg2[%dma_wait3A_458, %dma_wait3A_459] : memref<2600000x32xf32, #tpu.memory_space<hbm>> -> memref<2600000x32xf32, #tpu.memory_space<hbm>>
    tpu.wait_indirect_dma semaphore(%arg10 : memref<!tpu.dma_semaphore, #tpu.memory_space<semaphore_mem>>) src(%dma_wait3A_460 : memref<2600000x32xf32, #tpu.memory_space<hbm>>) dst(%arg7 : memref<1024x32xf32, #tpu.memory_space<vmem>>)
    %add3A_461 = arith.constant 4096 : i32
    %add3A_462 = arith.addi %mul3A_4, %add3A_461 : i32
    %dma_start3A_463 = arith.constant 0 : i32
    %dma_start3A_464 = tpu.memref_slice %arg4[%add3A_462, %dma_start3A_463] : memref<425984x32xf32, #tpu.memory_space<hbm>> -> memref<1024x32xf32, #tpu.memory_space<hbm>>
    %dma_start3A_465 = arith.constant 0 : i32
    %dma_start3A_466 = tpu.memref_slice %arg4[%add3A_462, %dma_start3A_465] : memref<425984x32xf32, #tpu.memory_space<hbm>> -> memref<1024x32xf32, #tpu.memory_space<hbm>>
    tpu.enqueue_dma source(%arg7 : memref<1024x32xf32, #tpu.memory_space<vmem>>) target(%dma_start3A_466 : memref<1024x32xf32, #tpu.memory_space<hbm>>) target_semaphore(%arg11 : memref<!tpu.dma_semaphore, #tpu.memory_space<semaphore_mem>>)
    %dma_wait3A_467 = arith.constant 0 : i32
    %dma_wait3A_468 = tpu.memref_slice %arg4[%add3A_442, %dma_wait3A_467] : memref<425984x32xf32, #tpu.memory_space<hbm>> -> memref<1024x32xf32, #tpu.memory_space<hbm>>
    %dma_wait3A_469 = arith.constant 0 : i32
    %dma_wait3A_470 = tpu.memref_slice %arg4[%add3A_442, %dma_wait3A_469] : memref<425984x32xf32, #tpu.memory_space<hbm>> -> memref<1024x32xf32, #tpu.memory_space<hbm>>
    tpu.wait_dma2 semaphore(%arg11 : memref<!tpu.dma_semaphore, #tpu.memory_space<semaphore_mem>>) src(%arg8 : memref<1024x32xf32, #tpu.memory_space<vmem>>) dst(%dma_wait3A_470 : memref<1024x32xf32, #tpu.memory_space<hbm>>)
    %dma_start3A_471 = arith.constant 5120 : i32
    %dma_start3A_472 = tpu.memref_slice %arg6[%dma_start3A_471] : memref<13312xi32, #tpu.memory_space<vmem>> -> memref<1024xi32, #tpu.memory_space<vmem>>
    %dma_start3A_473 = arith.constant 0 : i32
    %dma_start3A_474 = arith.constant 0 : i32
    %dma_start3A_475 = tpu.memref_slice %arg2[%dma_start3A_473, %dma_start3A_474] : memref<2600000x32xf32, #tpu.memory_space<hbm>> -> memref<2600000x32xf32, #tpu.memory_space<hbm>>
    tpu.enqueue_indirect_dma source(%dma_start3A_475 : memref<2600000x32xf32, #tpu.memory_space<hbm>>) target(%arg8 : memref<1024x32xf32, #tpu.memory_space<vmem>>) offsets(%dma_start3A_472 : memref<1024xi32, #tpu.memory_space<vmem>>) semaphore(%arg10 : memref<!tpu.dma_semaphore, #tpu.memory_space<semaphore_mem>>)
    %dma_wait3A_476 = arith.constant 5120 : i32
    %dma_wait3A_477 = tpu.memref_slice %arg6[%dma_wait3A_476] : memref<13312xi32, #tpu.memory_space<vmem>> -> memref<1024xi32, #tpu.memory_space<vmem>>
    %dma_wait3A_478 = arith.constant 0 : i32
    %dma_wait3A_479 = arith.constant 0 : i32
    %dma_wait3A_480 = tpu.memref_slice %arg2[%dma_wait3A_478, %dma_wait3A_479] : memref<2600000x32xf32, #tpu.memory_space<hbm>> -> memref<2600000x32xf32, #tpu.memory_space<hbm>>
    tpu.wait_indirect_dma semaphore(%arg10 : memref<!tpu.dma_semaphore, #tpu.memory_space<semaphore_mem>>) src(%dma_wait3A_480 : memref<2600000x32xf32, #tpu.memory_space<hbm>>) dst(%arg8 : memref<1024x32xf32, #tpu.memory_space<vmem>>)
    %add3A_481 = arith.constant 5120 : i32
    %add3A_482 = arith.addi %mul3A_4, %add3A_481 : i32
    %dma_start3A_483 = arith.constant 0 : i32
    %dma_start3A_484 = tpu.memref_slice %arg4[%add3A_482, %dma_start3A_483] : memref<425984x32xf32, #tpu.memory_space<hbm>> -> memref<1024x32xf32, #tpu.memory_space<hbm>>
    %dma_start3A_485 = arith.constant 0 : i32
    %dma_start3A_486 = tpu.memref_slice %arg4[%add3A_482, %dma_start3A_485] : memref<425984x32xf32, #tpu.memory_space<hbm>> -> memref<1024x32xf32, #tpu.memory_space<hbm>>
    tpu.enqueue_dma source(%arg8 : memref<1024x32xf32, #tpu.memory_space<vmem>>) target(%dma_start3A_486 : memref<1024x32xf32, #tpu.memory_space<hbm>>) target_semaphore(%arg11 : memref<!tpu.dma_semaphore, #tpu.memory_space<semaphore_mem>>)
    %dma_wait3A_487 = arith.constant 0 : i32
    %dma_wait3A_488 = tpu.memref_slice %arg4[%add3A_462, %dma_wait3A_487] : memref<425984x32xf32, #tpu.memory_space<hbm>> -> memref<1024x32xf32, #tpu.memory_space<hbm>>
    %dma_wait3A_489 = arith.constant 0 : i32
    %dma_wait3A_490 = tpu.memref_slice %arg4[%add3A_462, %dma_wait3A_489] : memref<425984x32xf32, #tpu.memory_space<hbm>> -> memref<1024x32xf32, #tpu.memory_space<hbm>>
    tpu.wait_dma2 semaphore(%arg11 : memref<!tpu.dma_semaphore, #tpu.memory_space<semaphore_mem>>) src(%arg7 : memref<1024x32xf32, #tpu.memory_space<vmem>>) dst(%dma_wait3A_490 : memref<1024x32xf32, #tpu.memory_space<hbm>>)
    %dma_start3A_491 = arith.constant 6144 : i32
    %dma_start3A_492 = tpu.memref_slice %arg6[%dma_start3A_491] : memref<13312xi32, #tpu.memory_space<vmem>> -> memref<1024xi32, #tpu.memory_space<vmem>>
    %dma_start3A_493 = arith.constant 0 : i32
    %dma_start3A_494 = arith.constant 0 : i32
    %dma_start3A_495 = tpu.memref_slice %arg2[%dma_start3A_493, %dma_start3A_494] : memref<2600000x32xf32, #tpu.memory_space<hbm>> -> memref<2600000x32xf32, #tpu.memory_space<hbm>>
    tpu.enqueue_indirect_dma source(%dma_start3A_495 : memref<2600000x32xf32, #tpu.memory_space<hbm>>) target(%arg7 : memref<1024x32xf32, #tpu.memory_space<vmem>>) offsets(%dma_start3A_492 : memref<1024xi32, #tpu.memory_space<vmem>>) semaphore(%arg10 : memref<!tpu.dma_semaphore, #tpu.memory_space<semaphore_mem>>)
    %dma_wait3A_496 = arith.constant 6144 : i32
    %dma_wait3A_497 = tpu.memref_slice %arg6[%dma_wait3A_496] : memref<13312xi32, #tpu.memory_space<vmem>> -> memref<1024xi32, #tpu.memory_space<vmem>>
    %dma_wait3A_498 = arith.constant 0 : i32
    %dma_wait3A_499 = arith.constant 0 : i32
    %dma_wait3A_500 = tpu.memref_slice %arg2[%dma_wait3A_498, %dma_wait3A_499] : memref<2600000x32xf32, #tpu.memory_space<hbm>> -> memref<2600000x32xf32, #tpu.memory_space<hbm>>
    tpu.wait_indirect_dma semaphore(%arg10 : memref<!tpu.dma_semaphore, #tpu.memory_space<semaphore_mem>>) src(%dma_wait3A_500 : memref<2600000x32xf32, #tpu.memory_space<hbm>>) dst(%arg7 : memref<1024x32xf32, #tpu.memory_space<vmem>>)
    %add3A_501 = arith.constant 6144 : i32
    %add3A_502 = arith.addi %mul3A_4, %add3A_501 : i32
    %dma_start3A_503 = arith.constant 0 : i32
    %dma_start3A_504 = tpu.memref_slice %arg4[%add3A_502, %dma_start3A_503] : memref<425984x32xf32, #tpu.memory_space<hbm>> -> memref<1024x32xf32, #tpu.memory_space<hbm>>
    %dma_start3A_505 = arith.constant 0 : i32
    %dma_start3A_506 = tpu.memref_slice %arg4[%add3A_502, %dma_start3A_505] : memref<425984x32xf32, #tpu.memory_space<hbm>> -> memref<1024x32xf32, #tpu.memory_space<hbm>>
    tpu.enqueue_dma source(%arg7 : memref<1024x32xf32, #tpu.memory_space<vmem>>) target(%dma_start3A_506 : memref<1024x32xf32, #tpu.memory_space<hbm>>) target_semaphore(%arg11 : memref<!tpu.dma_semaphore, #tpu.memory_space<semaphore_mem>>)
    %dma_wait3A_507 = arith.constant 0 : i32
    %dma_wait3A_508 = tpu.memref_slice %arg4[%add3A_482, %dma_wait3A_507] : memref<425984x32xf32, #tpu.memory_space<hbm>> -> memref<1024x32xf32, #tpu.memory_space<hbm>>
    %dma_wait3A_509 = arith.constant 0 : i32
    %dma_wait3A_510 = tpu.memref_slice %arg4[%add3A_482, %dma_wait3A_509] : memref<425984x32xf32, #tpu.memory_space<hbm>> -> memref<1024x32xf32, #tpu.memory_space<hbm>>
    tpu.wait_dma2 semaphore(%arg11 : memref<!tpu.dma_semaphore, #tpu.memory_space<semaphore_mem>>) src(%arg8 : memref<1024x32xf32, #tpu.memory_space<vmem>>) dst(%dma_wait3A_510 : memref<1024x32xf32, #tpu.memory_space<hbm>>)
    %dma_start3A_511 = arith.constant 7168 : i32
    %dma_start3A_512 = tpu.memref_slice %arg6[%dma_start3A_511] : memref<13312xi32, #tpu.memory_space<vmem>> -> memref<1024xi32, #tpu.memory_space<vmem>>
    %dma_start3A_513 = arith.constant 0 : i32
    %dma_start3A_514 = arith.constant 0 : i32
    %dma_start3A_515 = tpu.memref_slice %arg2[%dma_start3A_513, %dma_start3A_514] : memref<2600000x32xf32, #tpu.memory_space<hbm>> -> memref<2600000x32xf32, #tpu.memory_space<hbm>>
    tpu.enqueue_indirect_dma source(%dma_start3A_515 : memref<2600000x32xf32, #tpu.memory_space<hbm>>) target(%arg8 : memref<1024x32xf32, #tpu.memory_space<vmem>>) offsets(%dma_start3A_512 : memref<1024xi32, #tpu.memory_space<vmem>>) semaphore(%arg10 : memref<!tpu.dma_semaphore, #tpu.memory_space<semaphore_mem>>)
    %dma_wait3A_516 = arith.constant 7168 : i32
    %dma_wait3A_517 = tpu.memref_slice %arg6[%dma_wait3A_516] : memref<13312xi32, #tpu.memory_space<vmem>> -> memref<1024xi32, #tpu.memory_space<vmem>>
    %dma_wait3A_518 = arith.constant 0 : i32
    %dma_wait3A_519 = arith.constant 0 : i32
    %dma_wait3A_520 = tpu.memref_slice %arg2[%dma_wait3A_518, %dma_wait3A_519] : memref<2600000x32xf32, #tpu.memory_space<hbm>> -> memref<2600000x32xf32, #tpu.memory_space<hbm>>
    tpu.wait_indirect_dma semaphore(%arg10 : memref<!tpu.dma_semaphore, #tpu.memory_space<semaphore_mem>>) src(%dma_wait3A_520 : memref<2600000x32xf32, #tpu.memory_space<hbm>>) dst(%arg8 : memref<1024x32xf32, #tpu.memory_space<vmem>>)
    %add3A_521 = arith.constant 7168 : i32
    %add3A_522 = arith.addi %mul3A_4, %add3A_521 : i32
    %dma_start3A_523 = arith.constant 0 : i32
    %dma_start3A_524 = tpu.memref_slice %arg4[%add3A_522, %dma_start3A_523] : memref<425984x32xf32, #tpu.memory_space<hbm>> -> memref<1024x32xf32, #tpu.memory_space<hbm>>
    %dma_start3A_525 = arith.constant 0 : i32
    %dma_start3A_526 = tpu.memref_slice %arg4[%add3A_522, %dma_start3A_525] : memref<425984x32xf32, #tpu.memory_space<hbm>> -> memref<1024x32xf32, #tpu.memory_space<hbm>>
    tpu.enqueue_dma source(%arg8 : memref<1024x32xf32, #tpu.memory_space<vmem>>) target(%dma_start3A_526 : memref<1024x32xf32, #tpu.memory_space<hbm>>) target_semaphore(%arg11 : memref<!tpu.dma_semaphore, #tpu.memory_space<semaphore_mem>>)
    %dma_wait3A_527 = arith.constant 0 : i32
    %dma_wait3A_528 = tpu.memref_slice %arg4[%add3A_502, %dma_wait3A_527] : memref<425984x32xf32, #tpu.memory_space<hbm>> -> memref<1024x32xf32, #tpu.memory_space<hbm>>
    %dma_wait3A_529 = arith.constant 0 : i32
    %dma_wait3A_530 = tpu.memref_slice %arg4[%add3A_502, %dma_wait3A_529] : memref<425984x32xf32, #tpu.memory_space<hbm>> -> memref<1024x32xf32, #tpu.memory_space<hbm>>
    tpu.wait_dma2 semaphore(%arg11 : memref<!tpu.dma_semaphore, #tpu.memory_space<semaphore_mem>>) src(%arg7 : memref<1024x32xf32, #tpu.memory_space<vmem>>) dst(%dma_wait3A_530 : memref<1024x32xf32, #tpu.memory_space<hbm>>)
    %dma_start3A_531 = arith.constant 8192 : i32
    %dma_start3A_532 = tpu.memref_slice %arg6[%dma_start3A_531] : memref<13312xi32, #tpu.memory_space<vmem>> -> memref<1024xi32, #tpu.memory_space<vmem>>
    %dma_start3A_533 = arith.constant 0 : i32
    %dma_start3A_534 = arith.constant 0 : i32
    %dma_start3A_535 = tpu.memref_slice %arg2[%dma_start3A_533, %dma_start3A_534] : memref<2600000x32xf32, #tpu.memory_space<hbm>> -> memref<2600000x32xf32, #tpu.memory_space<hbm>>
    tpu.enqueue_indirect_dma source(%dma_start3A_535 : memref<2600000x32xf32, #tpu.memory_space<hbm>>) target(%arg7 : memref<1024x32xf32, #tpu.memory_space<vmem>>) offsets(%dma_start3A_532 : memref<1024xi32, #tpu.memory_space<vmem>>) semaphore(%arg10 : memref<!tpu.dma_semaphore, #tpu.memory_space<semaphore_mem>>)
    %dma_wait3A_536 = arith.constant 8192 : i32
    %dma_wait3A_537 = tpu.memref_slice %arg6[%dma_wait3A_536] : memref<13312xi32, #tpu.memory_space<vmem>> -> memref<1024xi32, #tpu.memory_space<vmem>>
    %dma_wait3A_538 = arith.constant 0 : i32
    %dma_wait3A_539 = arith.constant 0 : i32
    %dma_wait3A_540 = tpu.memref_slice %arg2[%dma_wait3A_538, %dma_wait3A_539] : memref<2600000x32xf32, #tpu.memory_space<hbm>> -> memref<2600000x32xf32, #tpu.memory_space<hbm>>
    tpu.wait_indirect_dma semaphore(%arg10 : memref<!tpu.dma_semaphore, #tpu.memory_space<semaphore_mem>>) src(%dma_wait3A_540 : memref<2600000x32xf32, #tpu.memory_space<hbm>>) dst(%arg7 : memref<1024x32xf32, #tpu.memory_space<vmem>>)
    %add3A_541 = arith.constant 8192 : i32
    %add3A_542 = arith.addi %mul3A_4, %add3A_541 : i32
    %dma_start3A_543 = arith.constant 0 : i32
    %dma_start3A_544 = tpu.memref_slice %arg4[%add3A_542, %dma_start3A_543] : memref<425984x32xf32, #tpu.memory_space<hbm>> -> memref<1024x32xf32, #tpu.memory_space<hbm>>
    %dma_start3A_545 = arith.constant 0 : i32
    %dma_start3A_546 = tpu.memref_slice %arg4[%add3A_542, %dma_start3A_545] : memref<425984x32xf32, #tpu.memory_space<hbm>> -> memref<1024x32xf32, #tpu.memory_space<hbm>>
    tpu.enqueue_dma source(%arg7 : memref<1024x32xf32, #tpu.memory_space<vmem>>) target(%dma_start3A_546 : memref<1024x32xf32, #tpu.memory_space<hbm>>) target_semaphore(%arg11 : memref<!tpu.dma_semaphore, #tpu.memory_space<semaphore_mem>>)
    %dma_wait3A_547 = arith.constant 0 : i32
    %dma_wait3A_548 = tpu.memref_slice %arg4[%add3A_522, %dma_wait3A_547] : memref<425984x32xf32, #tpu.memory_space<hbm>> -> memref<1024x32xf32, #tpu.memory_space<hbm>>
    %dma_wait3A_549 = arith.constant 0 : i32
    %dma_wait3A_550 = tpu.memref_slice %arg4[%add3A_522, %dma_wait3A_549] : memref<425984x32xf32, #tpu.memory_space<hbm>> -> memref<1024x32xf32, #tpu.memory_space<hbm>>
    tpu.wait_dma2 semaphore(%arg11 : memref<!tpu.dma_semaphore, #tpu.memory_space<semaphore_mem>>) src(%arg8 : memref<1024x32xf32, #tpu.memory_space<vmem>>) dst(%dma_wait3A_550 : memref<1024x32xf32, #tpu.memory_space<hbm>>)
    %dma_start3A_551 = arith.constant 9216 : i32
    %dma_start3A_552 = tpu.memref_slice %arg6[%dma_start3A_551] : memref<13312xi32, #tpu.memory_space<vmem>> -> memref<1024xi32, #tpu.memory_space<vmem>>
    %dma_start3A_553 = arith.constant 0 : i32
    %dma_start3A_554 = arith.constant 0 : i32
    %dma_start3A_555 = tpu.memref_slice %arg2[%dma_start3A_553, %dma_start3A_554] : memref<2600000x32xf32, #tpu.memory_space<hbm>> -> memref<2600000x32xf32, #tpu.memory_space<hbm>>
    tpu.enqueue_indirect_dma source(%dma_start3A_555 : memref<2600000x32xf32, #tpu.memory_space<hbm>>) target(%arg8 : memref<1024x32xf32, #tpu.memory_space<vmem>>) offsets(%dma_start3A_552 : memref<1024xi32, #tpu.memory_space<vmem>>) semaphore(%arg10 : memref<!tpu.dma_semaphore, #tpu.memory_space<semaphore_mem>>)
    %dma_wait3A_556 = arith.constant 9216 : i32
    %dma_wait3A_557 = tpu.memref_slice %arg6[%dma_wait3A_556] : memref<13312xi32, #tpu.memory_space<vmem>> -> memref<1024xi32, #tpu.memory_space<vmem>>
    %dma_wait3A_558 = arith.constant 0 : i32
    %dma_wait3A_559 = arith.constant 0 : i32
    %dma_wait3A_560 = tpu.memref_slice %arg2[%dma_wait3A_558, %dma_wait3A_559] : memref<2600000x32xf32, #tpu.memory_space<hbm>> -> memref<2600000x32xf32, #tpu.memory_space<hbm>>
    tpu.wait_indirect_dma semaphore(%arg10 : memref<!tpu.dma_semaphore, #tpu.memory_space<semaphore_mem>>) src(%dma_wait3A_560 : memref<2600000x32xf32, #tpu.memory_space<hbm>>) dst(%arg8 : memref<1024x32xf32, #tpu.memory_space<vmem>>)
    %add3A_561 = arith.constant 9216 : i32
    %add3A_562 = arith.addi %mul3A_4, %add3A_561 : i32
    %dma_start3A_563 = arith.constant 0 : i32
    %dma_start3A_564 = tpu.memref_slice %arg4[%add3A_562, %dma_start3A_563] : memref<425984x32xf32, #tpu.memory_space<hbm>> -> memref<1024x32xf32, #tpu.memory_space<hbm>>
    %dma_start3A_565 = arith.constant 0 : i32
    %dma_start3A_566 = tpu.memref_slice %arg4[%add3A_562, %dma_start3A_565] : memref<425984x32xf32, #tpu.memory_space<hbm>> -> memref<1024x32xf32, #tpu.memory_space<hbm>>
    tpu.enqueue_dma source(%arg8 : memref<1024x32xf32, #tpu.memory_space<vmem>>) target(%dma_start3A_566 : memref<1024x32xf32, #tpu.memory_space<hbm>>) target_semaphore(%arg11 : memref<!tpu.dma_semaphore, #tpu.memory_space<semaphore_mem>>)
    %dma_wait3A_567 = arith.constant 0 : i32
    %dma_wait3A_568 = tpu.memref_slice %arg4[%add3A_542, %dma_wait3A_567] : memref<425984x32xf32, #tpu.memory_space<hbm>> -> memref<1024x32xf32, #tpu.memory_space<hbm>>
    %dma_wait3A_569 = arith.constant 0 : i32
    %dma_wait3A_570 = tpu.memref_slice %arg4[%add3A_542, %dma_wait3A_569] : memref<425984x32xf32, #tpu.memory_space<hbm>> -> memref<1024x32xf32, #tpu.memory_space<hbm>>
    tpu.wait_dma2 semaphore(%arg11 : memref<!tpu.dma_semaphore, #tpu.memory_space<semaphore_mem>>) src(%arg7 : memref<1024x32xf32, #tpu.memory_space<vmem>>) dst(%dma_wait3A_570 : memref<1024x32xf32, #tpu.memory_space<hbm>>)
    %dma_start3A_571 = arith.constant 10240 : i32
    %dma_start3A_572 = tpu.memref_slice %arg6[%dma_start3A_571] : memref<13312xi32, #tpu.memory_space<vmem>> -> memref<1024xi32, #tpu.memory_space<vmem>>
    %dma_start3A_573 = arith.constant 0 : i32
    %dma_start3A_574 = arith.constant 0 : i32
    %dma_start3A_575 = tpu.memref_slice %arg2[%dma_start3A_573, %dma_start3A_574] : memref<2600000x32xf32, #tpu.memory_space<hbm>> -> memref<2600000x32xf32, #tpu.memory_space<hbm>>
    tpu.enqueue_indirect_dma source(%dma_start3A_575 : memref<2600000x32xf32, #tpu.memory_space<hbm>>) target(%arg7 : memref<1024x32xf32, #tpu.memory_space<vmem>>) offsets(%dma_start3A_572 : memref<1024xi32, #tpu.memory_space<vmem>>) semaphore(%arg10 : memref<!tpu.dma_semaphore, #tpu.memory_space<semaphore_mem>>)
    %dma_wait3A_576 = arith.constant 10240 : i32
    %dma_wait3A_577 = tpu.memref_slice %arg6[%dma_wait3A_576] : memref<13312xi32, #tpu.memory_space<vmem>> -> memref<1024xi32, #tpu.memory_space<vmem>>
    %dma_wait3A_578 = arith.constant 0 : i32
    %dma_wait3A_579 = arith.constant 0 : i32
    %dma_wait3A_580 = tpu.memref_slice %arg2[%dma_wait3A_578, %dma_wait3A_579] : memref<2600000x32xf32, #tpu.memory_space<hbm>> -> memref<2600000x32xf32, #tpu.memory_space<hbm>>
    tpu.wait_indirect_dma semaphore(%arg10 : memref<!tpu.dma_semaphore, #tpu.memory_space<semaphore_mem>>) src(%dma_wait3A_580 : memref<2600000x32xf32, #tpu.memory_space<hbm>>) dst(%arg7 : memref<1024x32xf32, #tpu.memory_space<vmem>>)
    %add3A_581 = arith.constant 10240 : i32
    %add3A_582 = arith.addi %mul3A_4, %add3A_581 : i32
    %dma_start3A_583 = arith.constant 0 : i32
    %dma_start3A_584 = tpu.memref_slice %arg4[%add3A_582, %dma_start3A_583] : memref<425984x32xf32, #tpu.memory_space<hbm>> -> memref<1024x32xf32, #tpu.memory_space<hbm>>
    %dma_start3A_585 = arith.constant 0 : i32
    %dma_start3A_586 = tpu.memref_slice %arg4[%add3A_582, %dma_start3A_585] : memref<425984x32xf32, #tpu.memory_space<hbm>> -> memref<1024x32xf32, #tpu.memory_space<hbm>>
    tpu.enqueue_dma source(%arg7 : memref<1024x32xf32, #tpu.memory_space<vmem>>) target(%dma_start3A_586 : memref<1024x32xf32, #tpu.memory_space<hbm>>) target_semaphore(%arg11 : memref<!tpu.dma_semaphore, #tpu.memory_space<semaphore_mem>>)
    %dma_wait3A_587 = arith.constant 0 : i32
    %dma_wait3A_588 = tpu.memref_slice %arg4[%add3A_562, %dma_wait3A_587] : memref<425984x32xf32, #tpu.memory_space<hbm>> -> memref<1024x32xf32, #tpu.memory_space<hbm>>
    %dma_wait3A_589 = arith.constant 0 : i32
    %dma_wait3A_590 = tpu.memref_slice %arg4[%add3A_562, %dma_wait3A_589] : memref<425984x32xf32, #tpu.memory_space<hbm>> -> memref<1024x32xf32, #tpu.memory_space<hbm>>
    tpu.wait_dma2 semaphore(%arg11 : memref<!tpu.dma_semaphore, #tpu.memory_space<semaphore_mem>>) src(%arg8 : memref<1024x32xf32, #tpu.memory_space<vmem>>) dst(%dma_wait3A_590 : memref<1024x32xf32, #tpu.memory_space<hbm>>)
    %dma_start3A_591 = arith.constant 11264 : i32
    %dma_start3A_592 = tpu.memref_slice %arg6[%dma_start3A_591] : memref<13312xi32, #tpu.memory_space<vmem>> -> memref<1024xi32, #tpu.memory_space<vmem>>
    %dma_start3A_593 = arith.constant 0 : i32
    %dma_start3A_594 = arith.constant 0 : i32
    %dma_start3A_595 = tpu.memref_slice %arg2[%dma_start3A_593, %dma_start3A_594] : memref<2600000x32xf32, #tpu.memory_space<hbm>> -> memref<2600000x32xf32, #tpu.memory_space<hbm>>
    tpu.enqueue_indirect_dma source(%dma_start3A_595 : memref<2600000x32xf32, #tpu.memory_space<hbm>>) target(%arg8 : memref<1024x32xf32, #tpu.memory_space<vmem>>) offsets(%dma_start3A_592 : memref<1024xi32, #tpu.memory_space<vmem>>) semaphore(%arg10 : memref<!tpu.dma_semaphore, #tpu.memory_space<semaphore_mem>>)
    %dma_wait3A_596 = arith.constant 11264 : i32
    %dma_wait3A_597 = tpu.memref_slice %arg6[%dma_wait3A_596] : memref<13312xi32, #tpu.memory_space<vmem>> -> memref<1024xi32, #tpu.memory_space<vmem>>
    %dma_wait3A_598 = arith.constant 0 : i32
    %dma_wait3A_599 = arith.constant 0 : i32
    %dma_wait3A_600 = tpu.memref_slice %arg2[%dma_wait3A_598, %dma_wait3A_599] : memref<2600000x32xf32, #tpu.memory_space<hbm>> -> memref<2600000x32xf32, #tpu.memory_space<hbm>>
    tpu.wait_indirect_dma semaphore(%arg10 : memref<!tpu.dma_semaphore, #tpu.memory_space<semaphore_mem>>) src(%dma_wait3A_600 : memref<2600000x32xf32, #tpu.memory_space<hbm>>) dst(%arg8 : memref<1024x32xf32, #tpu.memory_space<vmem>>)
    %add3A_601 = arith.constant 11264 : i32
    %add3A_602 = arith.addi %mul3A_4, %add3A_601 : i32
    %dma_start3A_603 = arith.constant 0 : i32
    %dma_start3A_604 = tpu.memref_slice %arg4[%add3A_602, %dma_start3A_603] : memref<425984x32xf32, #tpu.memory_space<hbm>> -> memref<1024x32xf32, #tpu.memory_space<hbm>>
    %dma_start3A_605 = arith.constant 0 : i32
    %dma_start3A_606 = tpu.memref_slice %arg4[%add3A_602, %dma_start3A_605] : memref<425984x32xf32, #tpu.memory_space<hbm>> -> memref<1024x32xf32, #tpu.memory_space<hbm>>
    tpu.enqueue_dma source(%arg8 : memref<1024x32xf32, #tpu.memory_space<vmem>>) target(%dma_start3A_606 : memref<1024x32xf32, #tpu.memory_space<hbm>>) target_semaphore(%arg11 : memref<!tpu.dma_semaphore, #tpu.memory_space<semaphore_mem>>)
    %dma_wait3A_607 = arith.constant 0 : i32
    %dma_wait3A_608 = tpu.memref_slice %arg4[%add3A_582, %dma_wait3A_607] : memref<425984x32xf32, #tpu.memory_space<hbm>> -> memref<1024x32xf32, #tpu.memory_space<hbm>>
    %dma_wait3A_609 = arith.constant 0 : i32
    %dma_wait3A_610 = tpu.memref_slice %arg4[%add3A_582, %dma_wait3A_609] : memref<425984x32xf32, #tpu.memory_space<hbm>> -> memref<1024x32xf32, #tpu.memory_space<hbm>>
    tpu.wait_dma2 semaphore(%arg11 : memref<!tpu.dma_semaphore, #tpu.memory_space<semaphore_mem>>) src(%arg7 : memref<1024x32xf32, #tpu.memory_space<vmem>>) dst(%dma_wait3A_610 : memref<1024x32xf32, #tpu.memory_space<hbm>>)
    %dma_start3A_611 = arith.constant 12288 : i32
    %dma_start3A_612 = tpu.memref_slice %arg6[%dma_start3A_611] : memref<13312xi32, #tpu.memory_space<vmem>> -> memref<1024xi32, #tpu.memory_space<vmem>>
    %dma_start3A_613 = arith.constant 0 : i32
    %dma_start3A_614 = arith.constant 0 : i32
    %dma_start3A_615 = tpu.memref_slice %arg2[%dma_start3A_613, %dma_start3A_614] : memref<2600000x32xf32, #tpu.memory_space<hbm>> -> memref<2600000x32xf32, #tpu.memory_space<hbm>>
    tpu.enqueue_indirect_dma source(%dma_start3A_615 : memref<2600000x32xf32, #tpu.memory_space<hbm>>) target(%arg7 : memref<1024x32xf32, #tpu.memory_space<vmem>>) offsets(%dma_start3A_612 : memref<1024xi32, #tpu.memory_space<vmem>>) semaphore(%arg10 : memref<!tpu.dma_semaphore, #tpu.memory_space<semaphore_mem>>)
    %dma_wait3A_616 = arith.constant 12288 : i32
    %dma_wait3A_617 = tpu.memref_slice %arg6[%dma_wait3A_616] : memref<13312xi32, #tpu.memory_space<vmem>> -> memref<1024xi32, #tpu.memory_space<vmem>>
    %dma_wait3A_618 = arith.constant 0 : i32
    %dma_wait3A_619 = arith.constant 0 : i32
    %dma_wait3A_620 = tpu.memref_slice %arg2[%dma_wait3A_618, %dma_wait3A_619] : memref<2600000x32xf32, #tpu.memory_space<hbm>> -> memref<2600000x32xf32, #tpu.memory_space<hbm>>
    tpu.wait_indirect_dma semaphore(%arg10 : memref<!tpu.dma_semaphore, #tpu.memory_space<semaphore_mem>>) src(%dma_wait3A_620 : memref<2600000x32xf32, #tpu.memory_space<hbm>>) dst(%arg7 : memref<1024x32xf32, #tpu.memory_space<vmem>>)
    %add3A_621 = arith.constant 12288 : i32
    %add3A_622 = arith.addi %mul3A_4, %add3A_621 : i32
    %dma_start3A_623 = arith.constant 0 : i32
    %dma_start3A_624 = tpu.memref_slice %arg4[%add3A_622, %dma_start3A_623] : memref<425984x32xf32, #tpu.memory_space<hbm>> -> memref<1024x32xf32, #tpu.memory_space<hbm>>
    %dma_start3A_625 = arith.constant 0 : i32
    %dma_start3A_626 = tpu.memref_slice %arg4[%add3A_622, %dma_start3A_625] : memref<425984x32xf32, #tpu.memory_space<hbm>> -> memref<1024x32xf32, #tpu.memory_space<hbm>>
    tpu.enqueue_dma source(%arg7 : memref<1024x32xf32, #tpu.memory_space<vmem>>) target(%dma_start3A_626 : memref<1024x32xf32, #tpu.memory_space<hbm>>) target_semaphore(%arg11 : memref<!tpu.dma_semaphore, #tpu.memory_space<semaphore_mem>>)
    %dma_wait3A_627 = arith.constant 0 : i32
    %dma_wait3A_628 = tpu.memref_slice %arg4[%add3A_622, %dma_wait3A_627] : memref<425984x32xf32, #tpu.memory_space<hbm>> -> memref<1024x32xf32, #tpu.memory_space<hbm>>
    %dma_wait3A_629 = arith.constant 0 : i32
    %dma_wait3A_630 = tpu.memref_slice %arg4[%add3A_622, %dma_wait3A_629] : memref<425984x32xf32, #tpu.memory_space<hbm>> -> memref<1024x32xf32, #tpu.memory_space<hbm>>
    tpu.wait_dma2 semaphore(%arg11 : memref<!tpu.dma_semaphore, #tpu.memory_space<semaphore_mem>>) src(%arg7 : memref<1024x32xf32, #tpu.memory_space<vmem>>) dst(%dma_wait3A_630 : memref<1024x32xf32, #tpu.memory_space<hbm>>)
    %dma_wait3A_631 = arith.constant 0 : i32
    %dma_wait3A_632 = tpu.memref_slice %arg4[%add3A_602, %dma_wait3A_631] : memref<425984x32xf32, #tpu.memory_space<hbm>> -> memref<1024x32xf32, #tpu.memory_space<hbm>>
    %dma_wait3A_633 = arith.constant 0 : i32
    %dma_wait3A_634 = tpu.memref_slice %arg4[%add3A_602, %dma_wait3A_633] : memref<425984x32xf32, #tpu.memory_space<hbm>> -> memref<1024x32xf32, #tpu.memory_space<hbm>>
    tpu.wait_dma2 semaphore(%arg11 : memref<!tpu.dma_semaphore, #tpu.memory_space<semaphore_mem>>) src(%arg8 : memref<1024x32xf32, #tpu.memory_space<vmem>>) dst(%dma_wait3A_634 : memref<1024x32xf32, #tpu.memory_space<hbm>>)
    return
  }
}

module attributes {stable_mosaic.version = 14 : i64} {
  func.func @_mm_body(%arg0: i32, %arg1: memref<1024x832xf32, #tpu.memory_space<vmem>>, %arg2: memref<512x832xf32, #tpu.memory_space<vmem>>, %arg3: memref<512x1024xf32, #tpu.memory_space<vmem>>) attributes {dimension_semantics = [#tpu.dimension_semantics<arbitrary>], iteration_bounds = array<i64: 16>, scalar_prefetch = 0 : i64, scratch_operands = 0 : i64, tpu.core_type = #tpu.core_type<tc>, window_params = [{transform_indices = @transform_0, window_bounds = array<i64: 1024, 832>}, {pipeline_mode = #tpu.pipeline_mode<synchronous>, transform_indices = @transform_1, window_bounds = array<i64: 512, 832>}, {transform_indices = @transform_2, window_bounds = array<i64: 512, 1024>}]} {
    %get3A = arith.constant 0 : index
    %get3A_0 = arith.constant 0 : index
    %get3A_1 = vector.load %arg2[%get3A, %get3A_0] : memref<512x832xf32, #tpu.memory_space<vmem>>, vector<512x832xf32>
    %get3A_2 = arith.constant 0 : index
    %get3A_3 = arith.constant 0 : index
    %get3A_4 = vector.load %arg1[%get3A_2, %get3A_3] : memref<1024x832xf32, #tpu.memory_space<vmem>>, vector<1024x832xf32>
    %dot_general3A = arith.constant dense<0.000000e+00> : vector<512x1024xf32>
    %dot_general3A_5 = tpu.matmul %get3A_1, %get3A_4, %dot_general3A {dimension_numbers = #tpu.dot_dimension_numbers<[1], [1], [0], [0], [0, 0, 1, 0], [], []>, transpose_lhs_hint = false} : vector<512x832xf32>, vector<1024x832xf32>, vector<512x1024xf32> -> vector<512x1024xf32>
    %swap3A = arith.constant 0 : index
    %swap3A_6 = arith.constant 0 : index
    %swap3A_7 = vector.load %arg3[%swap3A, %swap3A_6] : memref<512x1024xf32, #tpu.memory_space<vmem>>, vector<512x1024xf32>
    tpu.vector_store %arg3[%swap3A, %swap3A_6], %dot_general3A_5 {strides = array<i32>} : memref<512x1024xf32, #tpu.memory_space<vmem>>, vector<512x1024xf32>,
    return
  }
  func.func @transform_0(%arg0: i32) -> (i32, i32) {
    %c0_i32 = arith.constant 0 : i32
    %c0_i32_0 = arith.constant 0 : i32
    return %arg0, %c0_i32 : i32, i32
  }
  func.func @transform_1(%arg0: i32) -> (i32, i32) {
    %c0_i32 = arith.constant 0 : i32
    %c0_i32_0 = arith.constant 0 : i32
    %c0_i32_1 = arith.constant 0 : i32
    return %c0_i32, %c0_i32_0 : i32, i32
  }
  func.func @transform_2(%arg0: i32) -> (i32, i32) {
    %c0_i32 = arith.constant 0 : i32
    %c0_i32_0 = arith.constant 0 : i32
    return %c0_i32, %arg0 : i32, i32
  }
}

</mosaic_0001>

<sc_bundles>
// kernel: kernel.4.cloned.1.call-start
scs
__scs_entry_jumppad:
0x0: {  	(pc) =	sbr.rel $0x88, $3  }
0x1: {  	(tag) =	ssettag $0x0;
	lr =	simm.s32 $0x1  }
0x2: {  	[smem:$0x3F9D] =	sst lr;
	_ =	strace $0xD0000000  }
0x3: {  	_ = 	snop  }
0x4: {  	_ = 	snop  }
0x5: {  	_ = 	snop  }
0x6: {  	_ = 	snop  }
0x7: {  	_ = 	snop  }
__scs_overlays_trampoline_lowered:
0x8: {  	[smem:$0x3FAC] =	sst s0  }
0x9: {  	[smem:$0x3FAD] =	sst s1  }
0xa: {  	[smem:$0x3FAE] =	sst s2  }
0xb: {  	[smem:$0x3FAF] =	sst s3  }
0xc: {  	[smem:$0x3FB0] =	sst s4  }
0xd: {  	[smem:$0x3FB1] =	sst s5  }
0xe: {  	[smem:$0x3FB2] =	sst s6  }
0xf: {  	[smem:$0x3FB3] =	sst s7  }
0x10: {  	[smem:$0x3FB4] =	sst s8  }
0x11: {  	[smem:$0x3FB5] =	sst s9;
	s0 =	simm.s32 @!p0 $0x0  }
0x12: {  	s1 =	sld [smem:$0x3F9B];
	s0 =	simm.s32 @p0 $0x1  }
0x13: {  	[smem:$0x3FB6] =	sst s0;
	s0 =	simm.s32 @!p1 $0x0  }
0x14: {  	s2 =	sld [smem:$0x3F9A];
	s0 =	simm.s32 @p1 $0x1  }
0x15: {  	[smem:$0x3FB7] =	sst s0;
	s0 =	simm.s32 @!p2 $0x0  }
0x16: {  	s3 =	sld [smem:$0x3FDB];
	s0 =	simm.s32 @p2 $0x1  }
0x17: {  	s4 =	simm.s32 $0x1BF5;
	[smem:$0x3FB9] =	sst s0  }
0x18: {  	s0 =	sld [smem:$0x3F9C];
	_ =	swait.ge [sflag:s4], $0x0  }
0x19: {  	s7 =	sld [smem:$0x3F9D]  }
0x1a: {  	s8 =	sadd.s32 $0xFFFFE003, lr  }
0x1b: {  	s9 =	sadd.s32 $0xFFFFFEF7, lr;
	s5 =	simm.s32 $0xFFFFFFFF;
	p2 =	slt.u32 s8, $0xFFFFF086  }
0x1c: {  	p1 =	slt.u32 s9, $0xF7A;
	s5 =	simm.s32 @!p2 $0x0  }
0x1d: {  	s5 =	simm.s32 @p1 $0x1;
	p0 =	seq.s32 s7, s2  }
0x1e: {  	s7 =	smul.u32 @!p0 $0xF7A, s2;
	p2 =	seq.s32 @!p0 s5, $0x0  }
0x1f: {  	s9 =	smul.u32 $0xF7A, s1;
	s8 =	simm.s32 @!p0 $0x1BF5;
	p2 =	por !p2, p0  }
0x20: {  	[sflag:s8] =	ssyncset.s32 @!p0 $0xFFFFF086;
	s6 =	sadd.s32 @!p0 s3, s7;
	s7 =	simm.s32 @!p0 $0x108  }
0x21: {  	s3 =	sadd.s32 s3, s9;
	s6 =	sadd.s32 @!p0 $0x88, s6;
	s7 =	simm.s32 @p2 $0x1082  }
0x22: {  	[simem:s7], [sflag:s8] =	dma.local @!p0 [hbm:s6], $0xF7A  }
0x23: {  	s9 =	sor.u32 $0xD0000000, s2;
	s6 =	simm.s32 $0x108;
	_ =	swait.ge @!p0 [sflag:s8], $0x0  }
0x24: {  	s3 =	sadd.s32 $0x88, s3;
	s6 =	simm.s32 @!p1 $0x1082;
	[sflag:s4] =	ssyncset.s32 $0xFFFFF086  }
0x25: {  	[simem:s6], [sflag:s4] =	dma.local [hbm:s3], $0xF7A  }
0x26: {  	[smem:$0x3F9D] =	sst s1;
	(tag) =	ssettag s2;
	_ =	strace s9  }
0x27: {  	s1 =	sld [smem:$0x3FAD]  }
0x28: {  	s2 =	sld [smem:$0x3FAE]  }
0x29: {  	s4 =	sld [smem:$0x3FB0]  }
0x2a: {  	p0 =	seq.s32 s5, $0x0;
	s5 =	sld [smem:$0x3FB1]  }
0x2b: {  	s6 =	sld [smem:$0x3FB2]  }
0x2c: {  	s7 =	sld [smem:$0x3FB3]  }
0x2d: {  	s3 =	simm.s32 $0x108;
	s8 =	sld [smem:$0x3FB4]  }
0x2e: {  	s3 =	simm.s32 @!p0 $0x1082;
	s9 =	sld [smem:$0x3FB5]  }
0x2f: {  	lr =	sadd.s32 s0, s3;
	s0 =	sld [smem:$0x3FAC]  }
0x30: {  	s3 =	sld [smem:$0x3FAF]  }
0x31: {  	[smem:$0x3FB8] =	sst s10  }
0x32: {  	s10 =	sld [smem:$0x3FB6];
	_ =	sdelay $0x3  }
0x33: {  	p0 =	seq.s32 s10, $0x1;
	s10 =	sld [smem:$0x3FB8];
	_ =	sdelay $0x3  }
0x34: {  	[smem:$0x3FB8] =	sst s10  }
0x35: {  	s10 =	sld [smem:$0x3FB7];
	_ =	sdelay $0x3  }
0x36: {  	p1 =	seq.s32 s10, $0x1;
	s10 =	sld [smem:$0x3FB8];
	_ =	sdelay $0x3  }
0x37: {  	[smem:$0x3FB8] =	sst s10  }
0x38: {  	s10 =	sld [smem:$0x3FB9]  }
0x39: {  	_ = 	snop;
	(pc) =	sbr.ind lr, $3  }
0x3a: {  	_ = 	snop  }
0x3b: {  	_ = 	snop  }
0x3c: {  	p2 =	seq.s32 s10, $0x1;
	s10 =	sld [smem:$0x3FB8]  }
0x3d: {  	_ =	shalt  }
0x3e: {  	_ =	shalt  }
0x3f: {  	_ =	shalt  }
0x40: {  	_ =	shalt  }
0x41: {  	_ =	shalt  }
0x42: {  	_ =	shalt  }
0x43: {  	_ =	shalt  }
0x44: {  	_ =	shalt  }
0x45: {  	_ =	shalt  }
0x46: {  	_ =	shalt  }
0x47: {  	_ =	shalt  }
0x48: {  	_ =	shalt  }
0x49: {  	_ =	shalt  }
0x4a: {  	_ =	shalt  }
0x4b: {  	_ =	shalt  }
0x4c: {  	_ =	shalt  }
0x4d: {  	_ =	shalt  }
0x4e: {  	_ =	shalt  }
0x4f: {  	_ =	shalt  }
0x50: {  	_ =	shalt  }
0x51: {  	_ =	shalt  }
0x52: {  	_ =	shalt  }
0x53: {  	_ =	shalt  }
0x54: {  	_ =	shalt  }
0x55: {  	_ =	shalt  }
0x56: {  	_ =	shalt  }
0x57: {  	_ =	shalt  }
0x58: {  	_ =	shalt  }
0x59: {  	_ =	shalt  }
0x5a: {  	_ =	shalt  }
0x5b: {  	_ =	shalt  }
0x5c: {  	_ =	shalt  }
0x5d: {  	_ =	shalt  }
0x5e: {  	_ =	shalt  }
0x5f: {  	_ =	shalt  }
0x60: {  	_ =	shalt  }
0x61: {  	_ =	shalt  }
0x62: {  	_ =	shalt  }
0x63: {  	_ =	shalt  }
0x64: {  	_ =	shalt  }
0x65: {  	_ =	shalt  }
0x66: {  	_ =	shalt  }
0x67: {  	_ =	shalt  }
0x68: {  	_ =	shalt  }
0x69: {  	_ =	shalt  }
0x6a: {  	_ =	shalt  }
0x6b: {  	_ =	shalt  }
0x6c: {  	_ =	shalt  }
0x6d: {  	_ =	shalt  }
0x6e: {  	_ =	shalt  }
0x6f: {  	_ =	shalt  }
0x70: {  	_ =	shalt  }
0x71: {  	_ =	shalt  }
0x72: {  	_ =	shalt  }
0x73: {  	_ =	shalt  }
0x74: {  	_ =	shalt  }
0x75: {  	_ =	shalt  }
0x76: {  	_ =	shalt  }
0x77: {  	_ =	shalt  }
0x78: {  	_ =	shalt  }
0x79: {  	_ =	shalt  }
0x7a: {  	_ =	shalt  }
0x7b: {  	_ =	shalt  }
0x7c: {  	_ =	shalt  }
0x7d: {  	_ =	shalt  }
0x7e: {  	_ =	shalt  }
0x7f: {  	_ =	shalt  }
0x80: {  	_ =	shalt  }
0x81: {  	_ =	shalt  }
0x82: {  	_ =	shalt  }
0x83: {  	_ =	shalt  }
0x84: {  	_ =	shalt  }
0x85: {  	_ =	shalt  }
0x86: {  	_ =	shalt  }
0x87: {  	_ =	shalt  }
.Lfunc_end0:
.L_simem_size_0:
called_computation_lowered:
.L_overlay_start_0:
0x88: {  	s2 =	sld [smem:$0x3FD9]  }
0x89: {  	s3 =	sld [smem:$0x3FFE];
	_ =	sdelay $0x1  }
0x8a: {  	s1 =	srdreg.scid  }
0x8b: {  	s0 =	sand.u32 $0x1, s1  }
0x8c: {  	s17 =	sshll.u32 s0, $0xA;
	s2 =	sadd.s32 s3, s2  }
0x8d: {  	s2 =	sadd.s32 s2, s17  }
0x8e: {  	[smem:$0x3FC4] =	sst s2  }
0x8f: {  	_ = 	snop  }
0x90: {  	s2 =	sld [smem:$0x3FD0];
	(tm) =	ssettm $0x1  }
0x91: {  	s18 =	sld [smem:$0x3FFB];
	_ =	sdelay $0x3  }
0x92: {  	_ =	strace s18  }
0x93: {  	s3 =	sld [smem:$0x3FFC];
	_ =	sdelay $0x3  }
0x94: {  	_ =	strace s3  }
0x95: {  	s3 =	sld [smem:$0x3FFD];
	_ =	sdelay $0x3  }
0x96: {  	_ =	strace s3  }
0x97: {  	_ =	strace $0x8FFFFFFF  }
0x98: {  	s19 =	sld [smem:$0x3FDB];
	_ =	sdelay $0x1  }
0x99: {  	s4 =	simm.s32 $_scs_section_size  }
0x9a: {  	s5 =	simm.s32 $_size__tile_overlayer_lowered;
	s6 =	simm.s32 $_tile_overlayer_lowered  }
0x9b: {  	s22 =	simm.s32 $0x1BFF;
	s21 =	sshll.u32 s6, $0x1;
	s3 =	sadd.s32 s4, s19  }
0x9c: {  	s7 =	simm.s32 $0x0;
	s20 =	sshll.u32 s5, $0x1;
	s5 =	sadd.s32 s21, s3  }
0x9d: {  	[timem:s7], [sflag:s22] =	dma.local [hbm:s5], s20  }
0x9e: {  	_ =	swait.ge [sflag:s22], s20  }
0x9f: {  	s4 =	ssub.s32 $0x0, s20;
	[sflag:s22] =	ssyncset.done $0x0  }
0xa0: {  	[sflag:s22] =	ssyncadd.s32 s4;
	_ =	sdelay $0x1  }
0xa1: {  	s23 =	simm.s32 $0x1B8B  }
0xa2: {  	_ =	swait.ge [sflag:s23], $0x1  }
0xa3: {  	[sflag:s23] =	ssyncset.done $0x0  }
0xa4: {  	s25 =	simm.s32 $0x1B8E;
	s24 =	sld [smem:$0x3FFE];
	[sflag:s23] =	ssyncadd.s32 $0xFFFFFFFF  }
0xa5: {  	s26 =	simm.s32 $execute0_lowered;
	[smem:$0x3FD2] =	sst s25  }
0xa6: {  	s5 =	sshll.u32 s26, $0x1;
	_ =	strace $0x80000046;
	[dreg:$0x1] =	wrdreg $0xFFFFFFFF  }
0xa7: {  	s28 =	simm.s32 $_size_execute0_lowered;
	s3 =	sadd.s32 s3, s5;
	[dreg:$0x0] =	wrdreg $0x0  }
0xa8: {  	s5 =	sshll.u32 s28, $0x1;
	[dreg:$0x2] =	wrdreg s3  }
0xa9: {  	[dreg:$0x3] =	wrdreg s5  }
0xaa: {  	[dreg:$0x4] =	wrdreg $0xC0  }
0xab: {  	_ =	task [dreg:s7], $0x5FFFF  }
0xac: {  	[dreg:$0x1] =	wrdreg $0xFFFFFFFF  }
0xad: {  	[dreg:$0x0] =	wrdreg $0x60  }
0xae: {  	[dreg:$0x2] =	wrdreg s24  }
0xaf: {  	[dreg:$0x3] =	wrdreg s2  }
0xb0: {  	[dreg:$0x4] =	wrdreg $0x9  }
0xb1: {  	_ =	task.clear_ibuf [dreg:s7], $0x5FFFF;
	_ =	strace $0x90000046  }
0xb2: {  	s29 =	simm.s32 $0x9;
	_ =	strace $0x80000048  }
0xb3: {  	_ =	swait.ge [sflag:s29], $0x1  }
0xb4: {  	[sflag:s29] =	ssyncadd.s32 $0xFFFFFFFF  }
0xb5: {  	_ =	strace $0x90000048  }
0xb6: {  	_ =	sfence  }
0xb7: {  	s30 =	sld [smem:$0x0];
	_ =	sdelay $0x2  }
0xb8: {  	s31 =	sshll.u32 s1, $0xD;
	s1 =	sshrl.u32 s1, $0x2  }
0xb9: {  	s3 =	sand.u32 $0x4000, s31;
	s1 =	sadd.s32 s1, s30  }
0xba: {  	s0 =	sor.u32 s3, s0;
	s1 =	sshll.u32 s1, $0x11  }
0xbb: {  	s0 =	sor.u32 s1, s0  }
0xbc: {  	s0 =	sadd.s32 $0x8F2B, s0  }
0xbd: {  	[sflag:s0] =	ssyncadd.remote.s32 $0x1  }
0xbe: {  	_ =	sfence.sel $0xFFFF  }
0xbf: {  	[dreg:$0x0] =	wrdreg $0xFFFFFFFF;
	(pc) =	sbr.abs _section_cstart, $3  }
0xc0: {  	[dreg:$0x1] =	wrdreg $0xFFFFFFFF  }
0xc1: {  	_ =	task.clear_ibuf [dreg:s7], $0x2FFFF;
	_ =	strace $0x9FFFFFFF  }
0xc2: {  	(tm) =	ssettm $0x7FFFFFFF  }
0xc3: {  	_ =	shalt  }
tec
execute0_lowered:
.L_overlay_start_1:
0x0: {  	(tag) =	ssettag $0x1  }
0x1: {  	s3 =	srdreg.scid;
	s5 =	stileid.u32  }
0x2: {  	s4 =	sand.u32 $0x1, s3;
	s23 =	sshll.u32 s5, $0x1  }
0x3: {  	s0 =	rddreg [dreg:$0x0];
	s5 =	sor.u32 s4, s23  }
0x4: {  	s1 =	rddreg [dreg:$0x1];
	s24 =	sshll.u32 s5, $0x6  }
0x5: {  	s2 =	simm.s32 $0x0;
	s6 =	ssub.s32 $0x2, s4;
	s4 =	sadd.s32 s1, s24  }
0x6: {  	[smem:$0x7FF] =	sst s2;
	s26 =	sadd.s32 $0x800, s4  }
0x7: {  	_ =	strace $0x80000047;
	s29 =	sadd.s32 $0x1000, s4;
	[dreg:$0x3] =	wrdreg s26  }
0x8: {  	s3 =	sadd.s32 $0x27AD200, s0;
	s8 =	sadd.s32 $0x1800, s4;
	[dreg:$0x4] =	wrdreg s29  }
0x9: {  	s0 =	sadd.s32 $0xE00, s0;
	s9 =	sadd.s32 $0x2000, s4;
	[dreg:$0x5] =	wrdreg s8  }
0xa: {  	s7 =	sshrl.u32 s6, $0x1;
	s10 =	sadd.s32 $0x2800, s4;
	[dreg:$0x6] =	wrdreg s9  }
0xb: {  	s28 =	smul.u32 $0x68000, s5;
	s11 =	sadd.s32 $0x3000, s4;
	[dreg:$0x7] =	wrdreg s10  }
0xc: {  	s25 =	ssub.s32 s6, s7;
	s12 =	sadd.s32 $0x3800, s4;
	[dreg:$0x8] =	wrdreg s11  }
0xd: {  	s5 =	smul.u32 $0xD000, s5;
	s25 =	smax.u32 s25, $0x1;
	[dreg:$0x9] =	wrdreg s12  }
0xe: {  	s6 =	sshrl.u32 s28, $0x3;
	s28 =	sadd.s32 $0x4800, s4;
	[dreg:$0x17] =	wrdreg s25  }
0xf: {  	s6 =	sadd.s32 s0, s6;
	s0 =	sadd.s32 s0, s5;
	[dreg:$0x19] =	wrdreg s28  }
0x10: {  	s26 =	sadd.s32 $0x4000, s4;
	[dreg:$0xa] =	wrdreg s0  }
0x11: {  	s29 =	sadd.s32 $0x5000, s4;
	[dreg:$0x18] =	wrdreg s26  }
0x12: {  	s30 =	sadd.s32 $0x5800, s4;
	s13 =	sadd.s32 $0x1000, s6;
	[dreg:$0x1a] =	wrdreg s29  }
0x13: {  	s31 =	sadd.s32 $0x6000, s4;
	s14 =	sadd.s32 $0x2000, s6;
	[dreg:$0xb] =	wrdreg s13  }
0x14: {  	s1 =	sadd.s32 $0x7000, s4;
	s15 =	sadd.s32 $0x3000, s6;
	[dreg:$0xc] =	wrdreg s14  }
0x15: {  	s7 =	sadd.s32 $0x8800, s4;
	s16 =	sadd.s32 $0x4000, s6;
	[dreg:$0xd] =	wrdreg s15  }
0x16: {  	s5 =	sadd.s32 $0x7800, s4;
	s17 =	sadd.s32 $0x5000, s6;
	[dreg:$0xe] =	wrdreg s16  }
0x17: {  	s8 =	sadd.s32 $0x9000, s4;
	s18 =	sadd.s32 $0x6000, s6;
	[dreg:$0xf] =	wrdreg s17  }
0x18: {  	s9 =	sadd.s32 $0x9800, s4;
	s19 =	sadd.s32 $0x7000, s6;
	[dreg:$0x10] =	wrdreg s18  }
0x19: {  	s10 =	sadd.s32 $0xA000, s4;
	s20 =	sadd.s32 $0x8000, s6;
	[dreg:$0x11] =	wrdreg s19  }
0x1a: {  	s11 =	sadd.s32 $0xA800, s4;
	s21 =	sadd.s32 $0x9000, s6;
	[dreg:$0x12] =	wrdreg s20  }
0x1b: {  	s12 =	sadd.s32 $0xB000, s4;
	s22 =	sadd.s32 $0xA000, s6;
	[dreg:$0x13] =	wrdreg s21  }
0x1c: {  	s23 =	sadd.s32 $0xB000, s6;
	s24 =	sadd.s32 $0xC000, s6;
	[dreg:$0x14] =	wrdreg s22  }
0x1d: {  	s0 =	sadd.s32 $0x6800, s4;
	s6 =	sadd.s32 $0x8000, s4;
	[dreg:$0x15] =	wrdreg s23  }
0x1e: {  	[dreg:$0x16] =	wrdreg s24;
	s13 =	sadd.s32 $0xB800, s4;
	s14 =	sadd.s32 $0xC000, s4  }
0x1f: {  	v0 =	vlaneseq.u32;
	s15 =	sadd.s32 $0xC800, s4;
	s16 =	simm.s32 $0x400;
	s17 =	simm.s32 $0x1  }
0x20: {  	v1 =	vand.u32 $0x3, v0;
	s18 =	simm.s32 $0x3400;
	s19 =	simm.s32 $0x6800;
	s20 =	simm.s32 $0x2  }
0x21: {  	v0 =	vmul.u32 $0x1A, v0;
	v1 =	vmul.u32 $0x2, v1;
	s21 =	simm.s32 $0xE800;
	s22 =	simm.s32 $0x3;
	s23 =	simm.s32 $0x0  }
.LBB2_1:
0x22: {  	[tilespmem:s2], [sflag:$0x1] =	stream.linear.gather [hbm4b:s4+s2], $0x200, $0x38;
	[tilespmem:$0x16800] =	vst v63  }
0x23: {  	s24 =	rddreg [dreg:$0x3];
	s25 =	simm.s32 $0x200  }
0x24: {  	[tilespmem:s25], [sflag:$0x1] =	stream.linear.gather [hbm4b:s24+s2], $0x200, $0x38;
	[tilespmem:$0x16800] =	vst v63  }
0x25: {  	s29 =	rddreg [dreg:$0x4]  }
0x26: {  	[tilespmem:s16], [sflag:$0x1] =	stream.linear.gather [hbm4b:s29+s2], $0x200, $0x38;
	[tilespmem:$0x16800] =	vst v63  }
0x27: {  	s26 =	simm.s32 $0x600;
	s25 =	rddreg [dreg:$0x5]  }
0x28: {  	[tilespmem:s26], [sflag:$0x1] =	stream.linear.gather [hbm4b:s25+s2], $0x200, $0x38;
	[tilespmem:$0x16800] =	vst v63  }
0x29: {  	s28 =	rddreg [dreg:$0x6];
	s29 =	simm.s32 $0x800  }
0x2a: {  	[tilespmem:s29], [sflag:$0x1] =	stream.linear.gather [hbm4b:s28+s2], $0x200, $0x38;
	[tilespmem:$0x16800] =	vst v63  }
0x2b: {  	s25 =	rddreg [dreg:$0x7];
	s26 =	simm.s32 $0xA00  }
0x2c: {  	[tilespmem:s26], [sflag:$0x1] =	stream.linear.gather [hbm4b:s25+s2], $0x200, $0x38;
	[tilespmem:$0x16800] =	vst v63  }
0x2d: {  	s28 =	rddreg [dreg:$0x8];
	s29 =	simm.s32 $0xC00  }
0x2e: {  	[tilespmem:s29], [sflag:$0x1] =	stream.linear.gather [hbm4b:s28+s2], $0x200, $0x38;
	[tilespmem:$0x16800] =	vst v63  }
0x2f: {  	s25 =	rddreg [dreg:$0x9];
	s26 =	simm.s32 $0xE00  }
0x30: {  	[tilespmem:s26], [sflag:$0x1] =	stream.linear.gather [hbm4b:s25+s2], $0x200, $0x38;
	[tilespmem:$0x16800] =	vst v63  }
0x31: {  	s28 =	rddreg [dreg:$0x18];
	s29 =	simm.s32 $0x1000  }
0x32: {  	[tilespmem:s29], [sflag:$0x1] =	stream.linear.gather [hbm4b:s28+s2], $0x200, $0x38;
	[tilespmem:$0x16800] =	vst v63  }
0x33: {  	s25 =	rddreg [dreg:$0x19];
	s26 =	simm.s32 $0x1200  }
0x34: {  	[tilespmem:s26], [sflag:$0x1] =	stream.linear.gather [hbm4b:s25+s2], $0x200, $0x38;
	[tilespmem:$0x16800] =	vst v63  }
0x35: {  	s28 =	rddreg [dreg:$0x1a];
	s29 =	simm.s32 $0x1400  }
0x36: {  	[tilespmem:s29], [sflag:$0x1] =	stream.linear.gather [hbm4b:s28+s2], $0x200, $0x38;
	[tilespmem:$0x16800] =	vst v63  }
0x37: {  	s25 =	simm.s32 $0x1600  }
0x38: {  	[tilespmem:s25], [sflag:$0x1] =	stream.linear.gather [hbm4b:s30+s2], $0x200, $0x38;
	[tilespmem:$0x16800] =	vst v63  }
0x39: {  	s26 =	simm.s32 $0x1800  }
0x3a: {  	[tilespmem:s26], [sflag:$0x1] =	stream.linear.gather [hbm4b:s31+s2], $0x200, $0x38;
	[tilespmem:$0x16800] =	vst v63  }
0x3b: {  	s24 =	simm.s32 $0x1A00  }
0x3c: {  	[tilespmem:s24], [sflag:$0x1] =	stream.linear.gather [hbm4b:s0+s2], $0x200, $0x38;
	[tilespmem:$0x16800] =	vst v63  }
0x3d: {  	s28 =	simm.s32 $0x1C00  }
0x3e: {  	[tilespmem:s28], [sflag:$0x1] =	stream.linear.gather [hbm4b:s1+s2], $0x200, $0x38;
	[tilespmem:$0x16800] =	vst v63  }
0x3f: {  	s29 =	simm.s32 $0x1E00  }
0x40: {  	[tilespmem:s29], [sflag:$0x1] =	stream.linear.gather [hbm4b:s5+s2], $0x200, $0x38;
	[tilespmem:$0x16800] =	vst v63  }
0x41: {  	s26 =	simm.s32 $0x2000  }
0x42: {  	[tilespmem:s26], [sflag:$0x1] =	stream.linear.gather [hbm4b:s6+s2], $0x200, $0x38;
	[tilespmem:$0x16800] =	vst v63  }
0x43: {  	s28 =	simm.s32 $0x2200  }
0x44: {  	[tilespmem:s28], [sflag:$0x1] =	stream.linear.gather [hbm4b:s7+s2], $0x200, $0x38;
	[tilespmem:$0x16800] =	vst v63  }
0x45: {  	s29 =	simm.s32 $0x2400  }
0x46: {  	[tilespmem:s29], [sflag:$0x1] =	stream.linear.gather [hbm4b:s8+s2], $0x200, $0x38;
	[tilespmem:$0x16800] =	vst v63  }
0x47: {  	s26 =	simm.s32 $0x2600  }
0x48: {  	[tilespmem:s26], [sflag:$0x1] =	stream.linear.gather [hbm4b:s9+s2], $0x200, $0x38;
	[tilespmem:$0x16800] =	vst v63  }
0x49: {  	s28 =	simm.s32 $0x2800  }
0x4a: {  	[tilespmem:s28], [sflag:$0x1] =	stream.linear.gather [hbm4b:s10+s2], $0x200, $0x38;
	[tilespmem:$0x16800] =	vst v63  }
0x4b: {  	s29 =	simm.s32 $0x2A00  }
0x4c: {  	[tilespmem:s29], [sflag:$0x1] =	stream.linear.gather [hbm4b:s11+s2], $0x200, $0x38;
	[tilespmem:$0x16800] =	vst v63  }
0x4d: {  	s26 =	simm.s32 $0x2C00  }
0x4e: {  	[tilespmem:s26], [sflag:$0x1] =	stream.linear.gather [hbm4b:s12+s2], $0x200, $0x38;
	[tilespmem:$0x16800] =	vst v63  }
0x4f: {  	s28 =	simm.s32 $0x2E00  }
0x50: {  	[tilespmem:s28], [sflag:$0x1] =	stream.linear.gather [hbm4b:s13+s2], $0x200, $0x38;
	[tilespmem:$0x16800] =	vst v63  }
0x51: {  	s29 =	simm.s32 $0x3000  }
0x52: {  	[tilespmem:s29], [sflag:$0x1] =	stream.linear.gather [hbm4b:s14+s2], $0x200, $0x38;
	[tilespmem:$0x16800] =	vst v63  }
0x53: {  	s26 =	simm.s32 $0x3200  }
0x54: {  	[tilespmem:s26], [sflag:$0x1] =	stream.linear.gather [hbm4b:s15+s2], $0x200, $0x38;
	[tilespmem:$0x16800] =	vst v63  }
0x55: {  	_ =	swait.ge [sflag:s17], $0x200  }
0x56: {  	[sflag:s17] =	ssyncset.done $0x0  }
0x57: {  	[sflag:s17] =	ssyncadd.s32 $0xFFFFFE00  }
0x58: {  	_ =	swait.ge [sflag:s17], $0x200  }
0x59: {  	[sflag:s17] =	ssyncset.done $0x0  }
0x5a: {  	[sflag:s17] =	ssyncadd.s32 $0xFFFFFE00  }
0x5b: {  	_ =	swait.ge [sflag:s17], $0x200  }
0x5c: {  	[sflag:s17] =	ssyncset.done $0x0  }
0x5d: {  	[sflag:s17] =	ssyncadd.s32 $0xFFFFFE00  }
0x5e: {  	_ =	swait.ge [sflag:s17], $0x200  }
0x5f: {  	[sflag:s17] =	ssyncset.done $0x0  }
0x60: {  	[sflag:s17] =	ssyncadd.s32 $0xFFFFFE00  }
0x61: {  	_ =	swait.ge [sflag:s17], $0x200  }
0x62: {  	[sflag:s17] =	ssyncset.done $0x0  }
0x63: {  	[sflag:s17] =	ssyncadd.s32 $0xFFFFFE00  }
0x64: {  	_ =	swait.ge [sflag:s17], $0x200  }
0x65: {  	[sflag:s17] =	ssyncset.done $0x0  }
0x66: {  	[sflag:s17] =	ssyncadd.s32 $0xFFFFFE00  }
0x67: {  	_ =	swait.ge [sflag:s17], $0x200  }
0x68: {  	[sflag:s17] =	ssyncset.done $0x0  }
0x69: {  	[sflag:s17] =	ssyncadd.s32 $0xFFFFFE00  }
0x6a: {  	_ =	swait.ge [sflag:s17], $0x200  }
0x6b: {  	[sflag:s17] =	ssyncset.done $0x0  }
0x6c: {  	[sflag:s17] =	ssyncadd.s32 $0xFFFFFE00  }
0x6d: {  	_ =	swait.ge [sflag:s17], $0x200  }
0x6e: {  	[sflag:s17] =	ssyncset.done $0x0  }
0x6f: {  	[sflag:s17] =	ssyncadd.s32 $0xFFFFFE00  }
0x70: {  	_ =	swait.ge [sflag:s17], $0x200  }
0x71: {  	[sflag:s17] =	ssyncset.done $0x0  }
0x72: {  	[sflag:s17] =	ssyncadd.s32 $0xFFFFFE00  }
0x73: {  	_ =	swait.ge [sflag:s17], $0x200  }
0x74: {  	[sflag:s17] =	ssyncset.done $0x0  }
0x75: {  	[sflag:s17] =	ssyncadd.s32 $0xFFFFFE00  }
0x76: {  	_ =	swait.ge [sflag:s17], $0x200  }
0x77: {  	[sflag:s17] =	ssyncset.done $0x0  }
0x78: {  	[sflag:s17] =	ssyncadd.s32 $0xFFFFFE00  }
0x79: {  	_ =	swait.ge [sflag:s17], $0x200  }
0x7a: {  	[sflag:s17] =	ssyncset.done $0x0  }
0x7b: {  	[sflag:s17] =	ssyncadd.s32 $0xFFFFFE00  }
0x7c: {  	_ =	swait.ge [sflag:s17], $0x200  }
0x7d: {  	[sflag:s17] =	ssyncset.done $0x0  }
0x7e: {  	[sflag:s17] =	ssyncadd.s32 $0xFFFFFE00  }
0x7f: {  	_ =	swait.ge [sflag:s17], $0x200  }
0x80: {  	[sflag:s17] =	ssyncset.done $0x0  }
0x81: {  	[sflag:s17] =	ssyncadd.s32 $0xFFFFFE00  }
0x82: {  	_ =	swait.ge [sflag:s17], $0x200  }
0x83: {  	[sflag:s17] =	ssyncset.done $0x0  }
0x84: {  	[sflag:s17] =	ssyncadd.s32 $0xFFFFFE00  }
0x85: {  	_ =	swait.ge [sflag:s17], $0x200  }
0x86: {  	[sflag:s17] =	ssyncset.done $0x0  }
0x87: {  	[sflag:s17] =	ssyncadd.s32 $0xFFFFFE00  }
0x88: {  	_ =	swait.ge [sflag:s17], $0x200  }
0x89: {  	[sflag:s17] =	ssyncset.done $0x0  }
0x8a: {  	[sflag:s17] =	ssyncadd.s32 $0xFFFFFE00  }
0x8b: {  	_ =	swait.ge [sflag:s17], $0x200  }
0x8c: {  	[sflag:s17] =	ssyncset.done $0x0  }
0x8d: {  	[sflag:s17] =	ssyncadd.s32 $0xFFFFFE00  }
0x8e: {  	_ =	swait.ge [sflag:s17], $0x200  }
0x8f: {  	[sflag:s17] =	ssyncset.done $0x0  }
0x90: {  	[sflag:s17] =	ssyncadd.s32 $0xFFFFFE00  }
0x91: {  	_ =	swait.ge [sflag:s17], $0x200  }
0x92: {  	[sflag:s17] =	ssyncset.done $0x0  }
0x93: {  	[sflag:s17] =	ssyncadd.s32 $0xFFFFFE00  }
0x94: {  	_ =	swait.ge [sflag:s17], $0x200  }
0x95: {  	[sflag:s17] =	ssyncset.done $0x0  }
0x96: {  	[sflag:s17] =	ssyncadd.s32 $0xFFFFFE00  }
0x97: {  	_ =	swait.ge [sflag:s17], $0x200  }
0x98: {  	[sflag:s17] =	ssyncset.done $0x0  }
0x99: {  	[sflag:s17] =	ssyncadd.s32 $0xFFFFFE00  }
0x9a: {  	_ =	swait.ge [sflag:s17], $0x200  }
0x9b: {  	[sflag:s17] =	ssyncset.done $0x0  }
0x9c: {  	[sflag:s17] =	ssyncadd.s32 $0xFFFFFE00  }
0x9d: {  	_ =	swait.ge [sflag:s17], $0x200  }
0x9e: {  	[sflag:s17] =	ssyncset.done $0x0  }
0x9f: {  	[sflag:s17] =	ssyncadd.s32 $0xFFFFFE00  }
0xa0: {  	s28 =	simm.s32 $0x0;
	_ =	swait.ge [sflag:s17], $0x200  }
0xa1: {  	v2 =	vadd.s32 s28, v0;
	[sflag:s17] =	ssyncset.done $0x0  }
0xa2: {  	v2 =	vand.u32 $0x7FF8, v2;
	[sflag:s17] =	ssyncadd.s32 $0xFFFFFE00  }
0xa3: {  	v2 =	vor.u32 v1, v2;
	v3 =	vld [tilespmem:s24+$0xFFFFE600];
	_ =	sdelay $0x4  }
0xa4: {  	[tilespmem:v2+s18+$0x0] =	vst.idx.msk $0xffff, v3  }
0xa5: {  	s29 =	simm.s32 $0x1;
	v2 =	vld [tilespmem:s24+$0xFFFFE800]  }
0xa6: {  	v3 =	vadd.s32 s29, v0;
	_ =	sdelay $0x3  }
0xa7: {  	v2 =	vadd.s32 $0x186A0, v2  }
0xa8: {  	[tilespmem:v3+s18+$0x0] =	vst.idx.msk $0xffff, v2  }
0xa9: {  	s26 =	simm.s32 $0x2;
	v2 =	vld [tilespmem:s24+$0xFFFFEA00]  }
0xaa: {  	v3 =	vadd.s32 s26, v0;
	_ =	sdelay $0x3  }
0xab: {  	v2 =	vadd.s32 $0x30D40, v2  }
0xac: {  	[tilespmem:v3+s18+$0x0] =	vst.idx.msk $0xffff, v2  }
0xad: {  	s28 =	simm.s32 $0x3;
	v2 =	vld [tilespmem:s24+$0xFFFFEC00]  }
0xae: {  	v3 =	vadd.s32 s28, v0;
	_ =	sdelay $0x3  }
0xaf: {  	v2 =	vadd.s32 $0x493E0, v2  }
0xb0: {  	[tilespmem:v3+s18+$0x0] =	vst.idx.msk $0xffff, v2  }
0xb1: {  	s29 =	simm.s32 $0x4;
	v2 =	vld [tilespmem:s24+$0xFFFFEE00]  }
0xb2: {  	v3 =	vadd.s32 s29, v0;
	_ =	sdelay $0x3  }
0xb3: {  	v2 =	vadd.s32 $0x61A80, v2  }
0xb4: {  	[tilespmem:v3+s18+$0x0] =	vst.idx.msk $0xffff, v2  }
0xb5: {  	s26 =	simm.s32 $0x5;
	v2 =	vld [tilespmem:s24+$0xFFFFF000]  }
0xb6: {  	v3 =	vadd.s32 s26, v0;
	_ =	sdelay $0x3  }
0xb7: {  	v2 =	vadd.s32 $0x7A120, v2  }
0xb8: {  	[tilespmem:v3+s18+$0x0] =	vst.idx.msk $0xffff, v2  }
0xb9: {  	s28 =	simm.s32 $0x6;
	v2 =	vld [tilespmem:s24+$0xFFFFF200]  }
0xba: {  	v3 =	vadd.s32 s28, v0;
	_ =	sdelay $0x3  }
0xbb: {  	v2 =	vadd.s32 $0x927C0, v2  }
0xbc: {  	[tilespmem:v3+s18+$0x0] =	vst.idx.msk $0xffff, v2  }
0xbd: {  	s29 =	simm.s32 $0x7;
	v2 =	vld [tilespmem:s24+$0xFFFFF400]  }
0xbe: {  	v3 =	vadd.s32 s29, v0;
	_ =	sdelay $0x3  }
0xbf: {  	s26 =	simm.s32 $0x8;
	v2 =	vadd.s32 $0xAAE60, v2  }
0xc0: {  	[tilespmem:v3+s18+$0x0] =	vst.idx.msk $0xffff, v2;
	v2 =	vadd.s32 s26, v0  }
0xc1: {  	v3 =	vld [tilespmem:s24+$0xFFFFF600];
	v2 =	vand.u32 $0x7FF8, v2  }
0xc2: {  	v2 =	vor.u32 v1, v2;
	_ =	sdelay $0x3  }
0xc3: {  	v3 =	vadd.s32 $0xC3500, v3  }
0xc4: {  	[tilespmem:v2+s18+$0x0] =	vst.idx.msk $0xffff, v3  }
0xc5: {  	s28 =	simm.s32 $0x9;
	v2 =	vld [tilespmem:s24+$0xFFFFF800]  }
0xc6: {  	v3 =	vadd.s32 s28, v0;
	_ =	sdelay $0x3  }
0xc7: {  	v2 =	vadd.s32 $0xDBBA0, v2  }
0xc8: {  	[tilespmem:v3+s18+$0x0] =	vst.idx.msk $0xffff, v2  }
0xc9: {  	s29 =	simm.s32 $0xA;
	v2 =	vld [tilespmem:s24+$0xFFFFFA00]  }
0xca: {  	v3 =	vadd.s32 s29, v0;
	_ =	sdelay $0x3  }
0xcb: {  	v2 =	vadd.s32 $0xF4240, v2  }
0xcc: {  	[tilespmem:v3+s18+$0x0] =	vst.idx.msk $0xffff, v2  }
0xcd: {  	s26 =	simm.s32 $0xB;
	v2 =	vld [tilespmem:s24+$0xFFFFFC00]  }
0xce: {  	v3 =	vadd.s32 s26, v0;
	_ =	sdelay $0x3  }
0xcf: {  	v2 =	vadd.s32 $0x10C8E0, v2  }
0xd0: {  	[tilespmem:v3+s18+$0x0] =	vst.idx.msk $0xffff, v2  }
0xd1: {  	s28 =	simm.s32 $0xC;
	v2 =	vld [tilespmem:s24+$0xFFFFFE00]  }
0xd2: {  	v3 =	vadd.s32 s28, v0;
	_ =	sdelay $0x3  }
0xd3: {  	v2 =	vadd.s32 $0x124F80, v2  }
0xd4: {  	[tilespmem:v3+s18+$0x0] =	vst.idx.msk $0xffff, v2  }
0xd5: {  	s29 =	simm.s32 $0xD;
	v2 =	vld [tilespmem:s24+$0x0]  }
0xd6: {  	v3 =	vadd.s32 s29, v0;
	_ =	sdelay $0x3  }
0xd7: {  	v2 =	vadd.s32 $0x13D620, v2  }
0xd8: {  	[tilespmem:v3+s18+$0x0] =	vst.idx.msk $0xffff, v2  }
0xd9: {  	s26 =	simm.s32 $0xE;
	v2 =	vld [tilespmem:s24+$0x200]  }
0xda: {  	v3 =	vadd.s32 s26, v0;
	_ =	sdelay $0x3  }
0xdb: {  	v2 =	vadd.s32 $0x155CC0, v2  }
0xdc: {  	[tilespmem:v3+s18+$0x0] =	vst.idx.msk $0xffff, v2  }
0xdd: {  	s28 =	simm.s32 $0xF;
	v2 =	vld [tilespmem:s24+$0x400]  }
0xde: {  	v3 =	vadd.s32 s28, v0;
	_ =	sdelay $0x3  }
0xdf: {  	s29 =	simm.s32 $0x10;
	v2 =	vadd.s32 $0x16E360, v2  }
0xe0: {  	[tilespmem:v3+s18+$0x0] =	vst.idx.msk $0xffff, v2;
	v2 =	vadd.s32 s29, v0  }
0xe1: {  	v3 =	vld [tilespmem:s24+$0x600];
	v2 =	vand.u32 $0x7FF8, v2  }
0xe2: {  	v2 =	vor.u32 v1, v2;
	_ =	sdelay $0x3  }
0xe3: {  	v3 =	vadd.s32 $0x186A00, v3  }
0xe4: {  	[tilespmem:v2+s18+$0x0] =	vst.idx.msk $0xffff, v3  }
0xe5: {  	s26 =	simm.s32 $0x11;
	v2 =	vld [tilespmem:s24+$0x800]  }
0xe6: {  	v3 =	vadd.s32 s26, v0;
	_ =	sdelay $0x3  }
0xe7: {  	v2 =	vadd.s32 $0x19F0A0, v2  }
0xe8: {  	[tilespmem:v3+s18+$0x0] =	vst.idx.msk $0xffff, v2  }
0xe9: {  	s28 =	simm.s32 $0x12;
	v2 =	vld [tilespmem:s24+$0xA00]  }
0xea: {  	v3 =	vadd.s32 s28, v0;
	_ =	sdelay $0x3  }
0xeb: {  	v2 =	vadd.s32 $0x1B7740, v2  }
0xec: {  	[tilespmem:v3+s18+$0x0] =	vst.idx.msk $0xffff, v2  }
0xed: {  	s29 =	simm.s32 $0x13;
	v2 =	vld [tilespmem:s24+$0xC00]  }
0xee: {  	v3 =	vadd.s32 s29, v0;
	_ =	sdelay $0x3  }
0xef: {  	v2 =	vadd.s32 $0x1CFDE0, v2  }
0xf0: {  	[tilespmem:v3+s18+$0x0] =	vst.idx.msk $0xffff, v2  }
0xf1: {  	s26 =	simm.s32 $0x14;
	v2 =	vld [tilespmem:s24+$0xE00]  }
0xf2: {  	v3 =	vadd.s32 s26, v0;
	_ =	sdelay $0x3  }
0xf3: {  	v2 =	vadd.s32 $0x1E8480, v2  }
0xf4: {  	[tilespmem:v3+s18+$0x0] =	vst.idx.msk $0xffff, v2  }
0xf5: {  	s28 =	simm.s32 $0x15;
	v2 =	vld [tilespmem:s24+$0x1000]  }
0xf6: {  	v3 =	vadd.s32 s28, v0;
	_ =	sdelay $0x3  }
0xf7: {  	v2 =	vadd.s32 $0x200B20, v2  }
0xf8: {  	[tilespmem:v3+s18+$0x0] =	vst.idx.msk $0xffff, v2  }
0xf9: {  	s29 =	simm.s32 $0x16;
	v2 =	vld [tilespmem:s24+$0x1200]  }
0xfa: {  	v3 =	vadd.s32 s29, v0;
	_ =	sdelay $0x3  }
0xfb: {  	v2 =	vadd.s32 $0x2191C0, v2  }
0xfc: {  	[tilespmem:v3+s18+$0x0] =	vst.idx.msk $0xffff, v2  }
0xfd: {  	s26 =	simm.s32 $0x17;
	v2 =	vld [tilespmem:s24+$0x1400]  }
0xfe: {  	v3 =	vadd.s32 s26, v0;
	_ =	sdelay $0x3  }
0xff: {  	s28 =	simm.s32 $0x18;
	v2 =	vadd.s32 $0x231860, v2  }
0x100: {  	[tilespmem:v3+s18+$0x0] =	vst.idx.msk $0xffff, v2;
	v2 =	vadd.s32 s28, v0  }
0x101: {  	v3 =	vld [tilespmem:s24+$0x1600];
	v2 =	vand.u32 $0x7FF8, v2  }
0x102: {  	v2 =	vor.u32 v1, v2;
	_ =	sdelay $0x3  }
0x103: {  	v3 =	vadd.s32 $0x249F00, v3  }
0x104: {  	[tilespmem:v2+s18+$0x0] =	vst.idx.msk $0xffff, v3  }
0x105: {  	v4 =	vld [tilespmem:s24+$0x1800]  }
0x106: {  	s29 =	simm.s32 $0x19  }
0x107: {  	v2 =	vadd.s32 s29, v0;
	_ =	sdelay $0x1  }
0x108: {  	s26 =	simm.s32 $0x1A0  }
0x109: {  	s25 =	simm.s32 $0x1B9;
	v3 =	vadd.s32 s26, v0;
	s26 =	simm.s32 $0x359;
	v4 =	vadd.s32 $0x2625A0, v4  }
.LBB2_2:
0x10a: {  	p0 =	sne.s32 s26, $0x3279  }
0x10b: {  	v3 =	vand.u32 $0x7FF8, v3;
	[tilespmem:v2+s18+$0x0] =	vst.idx.msk $0xffff, v4;
	s24 =	sadd.s32 $0x10, s24;
	s28 =	smov.u32 s26;
	s26 =	sadd.s32 $0x1A0, s26  }
0x10c: {  	v2 =	vld [tilespmem:s24+$0xFFFFE600];
	v3 =	vor.u32 v1, v3;
	_ =	sdelay $0x4  }
0x10d: {  	[tilespmem:v3+s18+$0x0] =	vst.idx.msk $0xffff, v2  }
0x10e: {  	s29 =	sadd.s32 $0xFFFFFFE8, s25;
	v2 =	vld [tilespmem:s24+$0xFFFFE800]  }
0x10f: {  	v3 =	vadd.s32 s29, v0;
	_ =	sdelay $0x3  }
0x110: {  	v2 =	vadd.s32 $0x186A0, v2  }
0x111: {  	[tilespmem:v3+s18+$0x0] =	vst.idx.msk $0xffff, v2  }
0x112: {  	s29 =	sadd.s32 $0xFFFFFFE9, s25;
	v2 =	vld [tilespmem:s24+$0xFFFFEA00]  }
0x113: {  	v3 =	vadd.s32 s29, v0;
	_ =	sdelay $0x3  }
0x114: {  	v2 =	vadd.s32 $0x30D40, v2  }
0x115: {  	[tilespmem:v3+s18+$0x0] =	vst.idx.msk $0xffff, v2  }
0x116: {  	s29 =	sadd.s32 $0xFFFFFFEA, s25;
	v2 =	vld [tilespmem:s24+$0xFFFFEC00]  }
0x117: {  	v3 =	vadd.s32 s29, v0;
	_ =	sdelay $0x3  }
0x118: {  	v2 =	vadd.s32 $0x493E0, v2  }
0x119: {  	[tilespmem:v3+s18+$0x0] =	vst.idx.msk $0xffff, v2  }
0x11a: {  	s29 =	sadd.s32 $0xFFFFFFEB, s25;
	v2 =	vld [tilespmem:s24+$0xFFFFEE00]  }
0x11b: {  	v3 =	vadd.s32 s29, v0;
	_ =	sdelay $0x3  }
0x11c: {  	v2 =	vadd.s32 $0x61A80, v2  }
0x11d: {  	[tilespmem:v3+s18+$0x0] =	vst.idx.msk $0xffff, v2  }
0x11e: {  	s29 =	sadd.s32 $0xFFFFFFEC, s25;
	v2 =	vld [tilespmem:s24+$0xFFFFF000]  }
0x11f: {  	v3 =	vadd.s32 s29, v0;
	_ =	sdelay $0x3  }
0x120: {  	v2 =	vadd.s32 $0x7A120, v2  }
0x121: {  	[tilespmem:v3+s18+$0x0] =	vst.idx.msk $0xffff, v2  }
0x122: {  	s29 =	sadd.s32 $0xFFFFFFED, s25;
	v2 =	vld [tilespmem:s24+$0xFFFFF200]  }
0x123: {  	v3 =	vadd.s32 s29, v0;
	_ =	sdelay $0x3  }
0x124: {  	v2 =	vadd.s32 $0x927C0, v2  }
0x125: {  	[tilespmem:v3+s18+$0x0] =	vst.idx.msk $0xffff, v2  }
0x126: {  	s29 =	sadd.s32 $0xFFFFFFEE, s25;
	v2 =	vld [tilespmem:s24+$0xFFFFF400]  }
0x127: {  	v3 =	vadd.s32 s29, v0;
	_ =	sdelay $0x3  }
0x128: {  	s29 =	sadd.s32 $0xFFFFFFEF, s25;
	v2 =	vadd.s32 $0xAAE60, v2  }
0x129: {  	[tilespmem:v3+s18+$0x0] =	vst.idx.msk $0xffff, v2;
	v2 =	vadd.s32 s29, v0  }
0x12a: {  	v3 =	vld [tilespmem:s24+$0xFFFFF600];
	v2 =	vand.u32 $0x7FF8, v2  }
0x12b: {  	v2 =	vor.u32 v1, v2;
	_ =	sdelay $0x3  }
0x12c: {  	v3 =	vadd.s32 $0xC3500, v3  }
0x12d: {  	[tilespmem:v2+s18+$0x0] =	vst.idx.msk $0xffff, v3  }
0x12e: {  	s29 =	sadd.s32 $0xFFFFFFF0, s25;
	v2 =	vld [tilespmem:s24+$0xFFFFF800]  }
0x12f: {  	v3 =	vadd.s32 s29, v0;
	_ =	sdelay $0x3  }
0x130: {  	v2 =	vadd.s32 $0xDBBA0, v2  }
0x131: {  	[tilespmem:v3+s18+$0x0] =	vst.idx.msk $0xffff, v2  }
0x132: {  	s29 =	sadd.s32 $0xFFFFFFF1, s25;
	v2 =	vld [tilespmem:s24+$0xFFFFFA00]  }
0x133: {  	v3 =	vadd.s32 s29, v0;
	_ =	sdelay $0x3  }
0x134: {  	v2 =	vadd.s32 $0xF4240, v2  }
0x135: {  	[tilespmem:v3+s18+$0x0] =	vst.idx.msk $0xffff, v2  }
0x136: {  	s29 =	sadd.s32 $0xFFFFFFF2, s25;
	v2 =	vld [tilespmem:s24+$0xFFFFFC00]  }
0x137: {  	v3 =	vadd.s32 s29, v0;
	_ =	sdelay $0x3  }
0x138: {  	v2 =	vadd.s32 $0x10C8E0, v2  }
0x139: {  	[tilespmem:v3+s18+$0x0] =	vst.idx.msk $0xffff, v2  }
0x13a: {  	s29 =	sadd.s32 $0xFFFFFFF3, s25;
	v2 =	vld [tilespmem:s24+$0xFFFFFE00]  }
0x13b: {  	v3 =	vadd.s32 s29, v0;
	_ =	sdelay $0x3  }
0x13c: {  	v2 =	vadd.s32 $0x124F80, v2  }
0x13d: {  	[tilespmem:v3+s18+$0x0] =	vst.idx.msk $0xffff, v2  }
0x13e: {  	s29 =	sadd.s32 $0xFFFFFFF4, s25;
	v2 =	vld [tilespmem:s24+$0x0]  }
0x13f: {  	v3 =	vadd.s32 s29, v0;
	_ =	sdelay $0x3  }
0x140: {  	v2 =	vadd.s32 $0x13D620, v2  }
0x141: {  	[tilespmem:v3+s18+$0x0] =	vst.idx.msk $0xffff, v2  }
0x142: {  	s29 =	sadd.s32 $0xFFFFFFF5, s25;
	v2 =	vld [tilespmem:s24+$0x200]  }
0x143: {  	v3 =	vadd.s32 s29, v0;
	_ =	sdelay $0x3  }
0x144: {  	v2 =	vadd.s32 $0x155CC0, v2  }
0x145: {  	[tilespmem:v3+s18+$0x0] =	vst.idx.msk $0xffff, v2  }
0x146: {  	s29 =	sadd.s32 $0xFFFFFFF6, s25;
	v2 =	vld [tilespmem:s24+$0x400]  }
0x147: {  	v3 =	vadd.s32 s29, v0;
	_ =	sdelay $0x3  }
0x148: {  	s29 =	sadd.s32 $0xFFFFFFF7, s25;
	v2 =	vadd.s32 $0x16E360, v2  }
0x149: {  	[tilespmem:v3+s18+$0x0] =	vst.idx.msk $0xffff, v2;
	v2 =	vadd.s32 s29, v0  }
0x14a: {  	v3 =	vld [tilespmem:s24+$0x600];
	v2 =	vand.u32 $0x7FF8, v2  }
0x14b: {  	v2 =	vor.u32 v1, v2;
	_ =	sdelay $0x3  }
0x14c: {  	v3 =	vadd.s32 $0x186A00, v3  }
0x14d: {  	[tilespmem:v2+s18+$0x0] =	vst.idx.msk $0xffff, v3  }
0x14e: {  	s29 =	sadd.s32 $0xFFFFFFF8, s25;
	v2 =	vld [tilespmem:s24+$0x800]  }
0x14f: {  	v3 =	vadd.s32 s29, v0;
	_ =	sdelay $0x3  }
0x150: {  	v2 =	vadd.s32 $0x19F0A0, v2  }
0x151: {  	[tilespmem:v3+s18+$0x0] =	vst.idx.msk $0xffff, v2  }
0x152: {  	s29 =	sadd.s32 $0xFFFFFFF9, s25;
	v2 =	vld [tilespmem:s24+$0xA00]  }
0x153: {  	v3 =	vadd.s32 s29, v0;
	_ =	sdelay $0x3  }
0x154: {  	v2 =	vadd.s32 $0x1B7740, v2  }
0x155: {  	[tilespmem:v3+s18+$0x0] =	vst.idx.msk $0xffff, v2  }
0x156: {  	s29 =	sadd.s32 $0xFFFFFFFA, s25;
	v2 =	vld [tilespmem:s24+$0xC00]  }
0x157: {  	v3 =	vadd.s32 s29, v0;
	_ =	sdelay $0x3  }
0x158: {  	v2 =	vadd.s32 $0x1CFDE0, v2  }
0x159: {  	[tilespmem:v3+s18+$0x0] =	vst.idx.msk $0xffff, v2  }
0x15a: {  	s29 =	sadd.s32 $0xFFFFFFFB, s25;
	v2 =	vld [tilespmem:s24+$0xE00]  }
0x15b: {  	v3 =	vadd.s32 s29, v0;
	_ =	sdelay $0x3  }
0x15c: {  	v2 =	vadd.s32 $0x1E8480, v2  }
0x15d: {  	[tilespmem:v3+s18+$0x0] =	vst.idx.msk $0xffff, v2  }
0x15e: {  	s29 =	sadd.s32 $0xFFFFFFFC, s25;
	v2 =	vld [tilespmem:s24+$0x1000]  }
0x15f: {  	v3 =	vadd.s32 s29, v0;
	_ =	sdelay $0x3  }
0x160: {  	v2 =	vadd.s32 $0x200B20, v2  }
0x161: {  	[tilespmem:v3+s18+$0x0] =	vst.idx.msk $0xffff, v2  }
0x162: {  	s29 =	sadd.s32 $0xFFFFFFFD, s25;
	v2 =	vld [tilespmem:s24+$0x1200]  }
0x163: {  	v3 =	vadd.s32 s29, v0;
	_ =	sdelay $0x3  }
0x164: {  	v2 =	vadd.s32 $0x2191C0, v2  }
0x165: {  	[tilespmem:v3+s18+$0x0] =	vst.idx.msk $0xffff, v2  }
0x166: {  	s29 =	sadd.s32 $0xFFFFFFFE, s25;
	v2 =	vld [tilespmem:s24+$0x1400]  }
0x167: {  	v3 =	vadd.s32 s29, v0;
	_ =	sdelay $0x3  }
0x168: {  	s29 =	sadd.s32 $0xFFFFFFFF, s25;
	v2 =	vadd.s32 $0x231860, v2  }
0x169: {  	[tilespmem:v3+s18+$0x0] =	vst.idx.msk $0xffff, v2;
	v2 =	vadd.s32 s29, v0  }
0x16a: {  	v3 =	vld [tilespmem:s24+$0x1600];
	v2 =	vand.u32 $0x7FF8, v2  }
0x16b: {  	v2 =	vor.u32 v1, v2;
	_ =	sdelay $0x3  }
0x16c: {  	v3 =	vadd.s32 $0x249F00, v3  }
0x16d: {  	[tilespmem:v2+s18+$0x0] =	vst.idx.msk $0xffff, v3  }
0x16e: {  	v4 =	vld [tilespmem:s24+$0x1800]  }
.Ltmp0:
0x16f: {  	v2 =	vadd.s32 s25, v0;
	s25 =	smov.u32 s28;
	(pc) =	sbr.rel @p0 .LBB2_2-.Ltmp0, $3  }
0x170: {  	_ =	sdelay $0x1  }
0x171: {  	s28 =	sadd.s32 $0xFFFFFFE7, s25  }
0x172: {  	v3 =	vadd.s32 s28, v0;
	v4 =	vadd.s32 $0x2625A0, v4  }
0x173: {  	_ =	sdelay $0x3  }
0x174: {  	v3 =	vand.u32 $0x7FF8, v3;
	[tilespmem:v2+s18+$0x0] =	vst.idx.msk $0xffff, v4;
	s24 =	sadd.s32 $0x10, s24  }
0x175: {  	v2 =	vld [tilespmem:s24+$0xFFFFE600];
	v3 =	vor.u32 v1, v3;
	_ =	sdelay $0x4  }
0x176: {  	[tilespmem:v3+s18+$0x0] =	vst.idx.msk $0xffff, v2  }
0x177: {  	s26 =	sadd.s32 $0xFFFFFFE8, s25;
	v2 =	vld [tilespmem:s24+$0xFFFFE800]  }
0x178: {  	v3 =	vadd.s32 s26, v0;
	_ =	sdelay $0x3  }
0x179: {  	v2 =	vadd.s32 $0x186A0, v2  }
0x17a: {  	[tilespmem:v3+s18+$0x0] =	vst.idx.msk $0xffff, v2  }
0x17b: {  	s29 =	sadd.s32 $0xFFFFFFE9, s25;
	v2 =	vld [tilespmem:s24+$0xFFFFEA00]  }
0x17c: {  	v3 =	vadd.s32 s29, v0;
	_ =	sdelay $0x3  }
0x17d: {  	v2 =	vadd.s32 $0x30D40, v2  }
0x17e: {  	[tilespmem:v3+s18+$0x0] =	vst.idx.msk $0xffff, v2  }
0x17f: {  	s28 =	sadd.s32 $0xFFFFFFEA, s25;
	v2 =	vld [tilespmem:s24+$0xFFFFEC00]  }
0x180: {  	v3 =	vadd.s32 s28, v0;
	_ =	sdelay $0x3  }
0x181: {  	v2 =	vadd.s32 $0x493E0, v2  }
0x182: {  	[tilespmem:v3+s18+$0x0] =	vst.idx.msk $0xffff, v2  }
0x183: {  	s29 =	sadd.s32 $0xFFFFFFEB, s25;
	v2 =	vld [tilespmem:s24+$0xFFFFEE00]  }
0x184: {  	v3 =	vadd.s32 s29, v0;
	_ =	sdelay $0x3  }
0x185: {  	v2 =	vadd.s32 $0x61A80, v2  }
0x186: {  	[tilespmem:v3+s18+$0x0] =	vst.idx.msk $0xffff, v2  }
0x187: {  	s28 =	sadd.s32 $0xFFFFFFEC, s25;
	v2 =	vld [tilespmem:s24+$0xFFFFF000]  }
0x188: {  	v3 =	vadd.s32 s28, v0;
	_ =	sdelay $0x3  }
0x189: {  	v2 =	vadd.s32 $0x7A120, v2  }
0x18a: {  	[tilespmem:v3+s18+$0x0] =	vst.idx.msk $0xffff, v2  }
0x18b: {  	s29 =	sadd.s32 $0xFFFFFFED, s25;
	v2 =	vld [tilespmem:s24+$0xFFFFF200]  }
0x18c: {  	v3 =	vadd.s32 s29, v0;
	_ =	sdelay $0x3  }
0x18d: {  	v2 =	vadd.s32 $0x927C0, v2  }
0x18e: {  	[tilespmem:v3+s18+$0x0] =	vst.idx.msk $0xffff, v2  }
0x18f: {  	s28 =	sadd.s32 $0xFFFFFFEE, s25;
	v2 =	vld [tilespmem:s24+$0xFFFFF400]  }
0x190: {  	v3 =	vadd.s32 s28, v0;
	_ =	sdelay $0x3  }
0x191: {  	s29 =	sadd.s32 $0xFFFFFFEF, s25;
	v2 =	vadd.s32 $0xAAE60, v2  }
0x192: {  	[tilespmem:v3+s18+$0x0] =	vst.idx.msk $0xffff, v2;
	v2 =	vadd.s32 s29, v0  }
0x193: {  	v3 =	vld [tilespmem:s24+$0xFFFFF600];
	v2 =	vand.u32 $0x7FF8, v2  }
0x194: {  	v2 =	vor.u32 v1, v2;
	_ =	sdelay $0x3  }
0x195: {  	v3 =	vadd.s32 $0xC3500, v3  }
0x196: {  	[tilespmem:v2+s18+$0x0] =	vst.idx.msk $0xffff, v3  }
0x197: {  	s28 =	sadd.s32 $0xFFFFFFF0, s25;
	v2 =	vld [tilespmem:s24+$0xFFFFF800]  }
0x198: {  	v3 =	vadd.s32 s28, v0;
	_ =	sdelay $0x3  }
0x199: {  	v2 =	vadd.s32 $0xDBBA0, v2  }
0x19a: {  	[tilespmem:v3+s18+$0x0] =	vst.idx.msk $0xffff, v2  }
0x19b: {  	s29 =	sadd.s32 $0xFFFFFFF1, s25;
	v2 =	vld [tilespmem:s24+$0xFFFFFA00]  }
0x19c: {  	v3 =	vadd.s32 s29, v0;
	_ =	sdelay $0x3  }
0x19d: {  	v2 =	vadd.s32 $0xF4240, v2  }
0x19e: {  	[tilespmem:v3+s18+$0x0] =	vst.idx.msk $0xffff, v2  }
0x19f: {  	s28 =	sadd.s32 $0xFFFFFFF2, s25;
	v2 =	vld [tilespmem:s24+$0xFFFFFC00]  }
0x1a0: {  	v3 =	vadd.s32 s28, v0;
	_ =	sdelay $0x3  }
0x1a1: {  	v2 =	vadd.s32 $0x10C8E0, v2  }
0x1a2: {  	[tilespmem:v3+s18+$0x0] =	vst.idx.msk $0xffff, v2  }
0x1a3: {  	s29 =	sadd.s32 $0xFFFFFFF3, s25;
	v2 =	vld [tilespmem:s24+$0xFFFFFE00]  }
0x1a4: {  	v3 =	vadd.s32 s29, v0;
	_ =	sdelay $0x3  }
0x1a5: {  	v2 =	vadd.s32 $0x124F80, v2  }
0x1a6: {  	[tilespmem:v3+s18+$0x0] =	vst.idx.msk $0xffff, v2  }
0x1a7: {  	s28 =	sadd.s32 $0xFFFFFFF4, s25;
	v2 =	vld [tilespmem:s24+$0x0]  }
0x1a8: {  	v3 =	vadd.s32 s28, v0;
	_ =	sdelay $0x3  }
0x1a9: {  	v2 =	vadd.s32 $0x13D620, v2  }
0x1aa: {  	[tilespmem:v3+s18+$0x0] =	vst.idx.msk $0xffff, v2  }
0x1ab: {  	s29 =	sadd.s32 $0xFFFFFFF5, s25;
	v2 =	vld [tilespmem:s24+$0x200]  }
0x1ac: {  	v3 =	vadd.s32 s29, v0;
	_ =	sdelay $0x3  }
0x1ad: {  	v2 =	vadd.s32 $0x155CC0, v2  }
0x1ae: {  	[tilespmem:v3+s18+$0x0] =	vst.idx.msk $0xffff, v2  }
0x1af: {  	s28 =	sadd.s32 $0xFFFFFFF6, s25;
	v2 =	vld [tilespmem:s24+$0x400]  }
0x1b0: {  	v3 =	vadd.s32 s28, v0;
	_ =	sdelay $0x3  }
0x1b1: {  	s29 =	sadd.s32 $0xFFFFFFF7, s25;
	v2 =	vadd.s32 $0x16E360, v2  }
0x1b2: {  	[tilespmem:v3+s18+$0x0] =	vst.idx.msk $0xffff, v2;
	v2 =	vadd.s32 s29, v0  }
0x1b3: {  	v3 =	vld [tilespmem:s24+$0x600];
	v2 =	vand.u32 $0x7FF8, v2  }
0x1b4: {  	v2 =	vor.u32 v1, v2;
	_ =	sdelay $0x3  }
0x1b5: {  	v3 =	vadd.s32 $0x186A00, v3  }
0x1b6: {  	[tilespmem:v2+s18+$0x0] =	vst.idx.msk $0xffff, v3  }
0x1b7: {  	s28 =	sadd.s32 $0xFFFFFFF8, s25;
	v2 =	vld [tilespmem:s24+$0x800]  }
0x1b8: {  	v3 =	vadd.s32 s28, v0;
	_ =	sdelay $0x3  }
0x1b9: {  	v2 =	vadd.s32 $0x19F0A0, v2  }
0x1ba: {  	[tilespmem:v3+s18+$0x0] =	vst.idx.msk $0xffff, v2  }
0x1bb: {  	s29 =	sadd.s32 $0xFFFFFFF9, s25;
	v2 =	vld [tilespmem:s24+$0xA00]  }
0x1bc: {  	v3 =	vadd.s32 s29, v0;
	_ =	sdelay $0x3  }
0x1bd: {  	v2 =	vadd.s32 $0x1B7740, v2  }
0x1be: {  	[tilespmem:v3+s18+$0x0] =	vst.idx.msk $0xffff, v2  }
0x1bf: {  	s28 =	sadd.s32 $0xFFFFFFFA, s25;
	v2 =	vld [tilespmem:s24+$0xC00]  }
0x1c0: {  	v3 =	vadd.s32 s28, v0;
	_ =	sdelay $0x3  }
0x1c1: {  	v2 =	vadd.s32 $0x1CFDE0, v2  }
0x1c2: {  	[tilespmem:v3+s18+$0x0] =	vst.idx.msk $0xffff, v2  }
0x1c3: {  	s29 =	sadd.s32 $0xFFFFFFFB, s25;
	v2 =	vld [tilespmem:s24+$0xE00]  }
0x1c4: {  	v3 =	vadd.s32 s29, v0;
	_ =	sdelay $0x3  }
0x1c5: {  	v2 =	vadd.s32 $0x1E8480, v2  }
0x1c6: {  	[tilespmem:v3+s18+$0x0] =	vst.idx.msk $0xffff, v2  }
0x1c7: {  	s28 =	sadd.s32 $0xFFFFFFFC, s25;
	v2 =	vld [tilespmem:s24+$0x1000]  }
0x1c8: {  	v3 =	vadd.s32 s28, v0;
	_ =	sdelay $0x3  }
0x1c9: {  	v2 =	vadd.s32 $0x200B20, v2  }
0x1ca: {  	[tilespmem:v3+s18+$0x0] =	vst.idx.msk $0xffff, v2  }
0x1cb: {  	s29 =	sadd.s32 $0xFFFFFFFD, s25;
	v2 =	vld [tilespmem:s24+$0x1200]  }
0x1cc: {  	v3 =	vadd.s32 s29, v0;
	_ =	sdelay $0x3  }
0x1cd: {  	v2 =	vadd.s32 $0x2191C0, v2  }
0x1ce: {  	[tilespmem:v3+s18+$0x0] =	vst.idx.msk $0xffff, v2  }
0x1cf: {  	s28 =	sadd.s32 $0xFFFFFFFE, s25;
	v2 =	vld [tilespmem:s24+$0x1400]  }
0x1d0: {  	v3 =	vadd.s32 s28, v0;
	_ =	sdelay $0x3  }
0x1d1: {  	s29 =	sadd.s32 $0xFFFFFFFF, s25;
	v2 =	vadd.s32 $0x231860, v2  }
0x1d2: {  	v63 =	vadd.s32 s29, v0;
	[tilespmem:v3+s18+$0x0] =	vst.idx.msk $0xffff, v2  }
0x1d3: {  	v3 =	vand.u32 $0x7FF8, v63;
	v2 =	vld [tilespmem:s24+$0x1600]  }
0x1d4: {  	v3 =	vor.u32 v1, v3;
	_ =	sdelay $0x3  }
0x1d5: {  	v2 =	vadd.s32 $0x249F00, v2  }
0x1d6: {  	[tilespmem:v3+s18+$0x0] =	vst.idx.msk $0xffff, v2  }
0x1d7: {  	v2 =	vld [tilespmem:s24+$0x1800]  }
0x1d8: {  	v3 =	vadd.s32 s25, v0;
	_ =	sdelay $0x3  }
0x1d9: {  	v2 =	vadd.s32 $0x2625A0, v2  }
0x1da: {  	[tilespmem:v3+s18+$0x0] =	vst.idx.msk $0xffff, v2  }
0x1db: {  	[tilespmem:s19], [sflag:$0x2] =	stream.indirect.gather [hbm4b:s3+s16], $0x20, s18, s16, $0xb8;
	[tilespmem:$0x16800] =	vst v63  }
0x1dc: {  	_ =	swait.ge [sflag:s20], $0x8000  }
0x1dd: {  	[sflag:s20] =	ssyncset.done $0x0  }
0x1de: {  	s28 =	rddreg [dreg:$0xa];
	[sflag:s20] =	ssyncadd.s32 $0xFFFF8000  }
0x1df: {  	[hbm4b:s28+s2] =	stream.linear.scatter [tilespmem:s19], [sflag:$0x3], $0x8000, $0x38;
	[tilespmem:$0x16800] =	vst v63  }
0x1e0: {  	s29 =	simm.s32 $0x3800  }
0x1e1: {  	[tilespmem:s21], [sflag:$0x2] =	stream.indirect.gather [hbm4b:s3+s16], $0x20, s29, s16, $0xb8;
	[tilespmem:$0x16800] =	vst v63  }
0x1e2: {  	_ =	swait.ge [sflag:s20], $0x8000  }
0x1e3: {  	[sflag:s20] =	ssyncset.done $0x0  }
0x1e4: {  	s25 =	rddreg [dreg:$0xb];
	[sflag:s20] =	ssyncadd.s32 $0xFFFF8000  }
0x1e5: {  	[hbm4b:s25+s2] =	stream.linear.scatter [tilespmem:s21], [sflag:$0x3], $0x8000, $0x38;
	[tilespmem:$0x16800] =	vst v63  }
0x1e6: {  	_ =	swait.ge [sflag:s22], $0x8000  }
0x1e7: {  	[sflag:s22] =	ssyncset.done $0x0  }
0x1e8: {  	s26 =	simm.s32 $0x3C00;
	[sflag:s22] =	ssyncadd.s32 $0xFFFF8000  }
0x1e9: {  	[tilespmem:s19], [sflag:$0x2] =	stream.indirect.gather [hbm4b:s3+s16], $0x20, s26, s16, $0xb8;
	[tilespmem:$0x16800] =	vst v63  }
0x1ea: {  	_ =	swait.ge [sflag:s20], $0x8000  }
0x1eb: {  	[sflag:s20] =	ssyncset.done $0x0  }
0x1ec: {  	s28 =	rddreg [dreg:$0xc];
	[sflag:s20] =	ssyncadd.s32 $0xFFFF8000  }
0x1ed: {  	[hbm4b:s28+s2] =	stream.linear.scatter [tilespmem:s19], [sflag:$0x3], $0x8000, $0x38;
	[tilespmem:$0x16800] =	vst v63  }
0x1ee: {  	_ =	swait.ge [sflag:s22], $0x8000  }
0x1ef: {  	[sflag:s22] =	ssyncset.done $0x0  }
0x1f0: {  	s29 =	simm.s32 $0x4000;
	[sflag:s22] =	ssyncadd.s32 $0xFFFF8000  }
0x1f1: {  	[tilespmem:s21], [sflag:$0x2] =	stream.indirect.gather [hbm4b:s3+s16], $0x20, s29, s16, $0xb8;
	[tilespmem:$0x16800] =	vst v63  }
0x1f2: {  	_ =	swait.ge [sflag:s20], $0x8000  }
0x1f3: {  	[sflag:s20] =	ssyncset.done $0x0  }
0x1f4: {  	s25 =	rddreg [dreg:$0xd];
	[sflag:s20] =	ssyncadd.s32 $0xFFFF8000  }
0x1f5: {  	[hbm4b:s25+s2] =	stream.linear.scatter [tilespmem:s21], [sflag:$0x3], $0x8000, $0x38;
	[tilespmem:$0x16800] =	vst v63  }
0x1f6: {  	_ =	swait.ge [sflag:s22], $0x8000  }
0x1f7: {  	[sflag:s22] =	ssyncset.done $0x0  }
0x1f8: {  	s26 =	simm.s32 $0x4400;
	[sflag:s22] =	ssyncadd.s32 $0xFFFF8000  }
0x1f9: {  	[tilespmem:s19], [sflag:$0x2] =	stream.indirect.gather [hbm4b:s3+s16], $0x20, s26, s16, $0xb8;
	[tilespmem:$0x16800] =	vst v63  }
0x1fa: {  	_ =	swait.ge [sflag:s20], $0x8000  }
0x1fb: {  	[sflag:s20] =	ssyncset.done $0x0  }
0x1fc: {  	s28 =	rddreg [dreg:$0xe];
	[sflag:s20] =	ssyncadd.s32 $0xFFFF8000  }
0x1fd: {  	[hbm4b:s28+s2] =	stream.linear.scatter [tilespmem:s19], [sflag:$0x3], $0x8000, $0x38;
	[tilespmem:$0x16800] =	vst v63  }
0x1fe: {  	_ =	swait.ge [sflag:s22], $0x8000  }
0x1ff: {  	[sflag:s22] =	ssyncset.done $0x0  }
0x200: {  	s29 =	simm.s32 $0x4800;
	[sflag:s22] =	ssyncadd.s32 $0xFFFF8000  }
0x201: {  	[tilespmem:s21], [sflag:$0x2] =	stream.indirect.gather [hbm4b:s3+s16], $0x20, s29, s16, $0xb8;
	[tilespmem:$0x16800] =	vst v63  }
0x202: {  	_ =	swait.ge [sflag:s20], $0x8000  }
0x203: {  	[sflag:s20] =	ssyncset.done $0x0  }
0x204: {  	s25 =	rddreg [dreg:$0xf];
	[sflag:s20] =	ssyncadd.s32 $0xFFFF8000  }
0x205: {  	[hbm4b:s25+s2] =	stream.linear.scatter [tilespmem:s21], [sflag:$0x3], $0x8000, $0x38;
	[tilespmem:$0x16800] =	vst v63  }
0x206: {  	_ =	swait.ge [sflag:s22], $0x8000  }
0x207: {  	[sflag:s22] =	ssyncset.done $0x0  }
0x208: {  	s26 =	simm.s32 $0x4C00;
	[sflag:s22] =	ssyncadd.s32 $0xFFFF8000  }
0x209: {  	[tilespmem:s19], [sflag:$0x2] =	stream.indirect.gather [hbm4b:s3+s16], $0x20, s26, s16, $0xb8;
	[tilespmem:$0x16800] =	vst v63  }
0x20a: {  	_ =	swait.ge [sflag:s20], $0x8000  }
0x20b: {  	[sflag:s20] =	ssyncset.done $0x0  }
0x20c: {  	s28 =	rddreg [dreg:$0x10];
	[sflag:s20] =	ssyncadd.s32 $0xFFFF8000  }
0x20d: {  	[hbm4b:s28+s2] =	stream.linear.scatter [tilespmem:s19], [sflag:$0x3], $0x8000, $0x38;
	[tilespmem:$0x16800] =	vst v63  }
0x20e: {  	_ =	swait.ge [sflag:s22], $0x8000  }
0x20f: {  	[sflag:s22] =	ssyncset.done $0x0  }
0x210: {  	s29 =	simm.s32 $0x5000;
	[sflag:s22] =	ssyncadd.s32 $0xFFFF8000  }
0x211: {  	[tilespmem:s21], [sflag:$0x2] =	stream.indirect.gather [hbm4b:s3+s16], $0x20, s29, s16, $0xb8;
	[tilespmem:$0x16800] =	vst v63  }
0x212: {  	_ =	swait.ge [sflag:s20], $0x8000  }
0x213: {  	[sflag:s20] =	ssyncset.done $0x0  }
0x214: {  	s25 =	rddreg [dreg:$0x11];
	[sflag:s20] =	ssyncadd.s32 $0xFFFF8000  }
0x215: {  	[hbm4b:s25+s2] =	stream.linear.scatter [tilespmem:s21], [sflag:$0x3], $0x8000, $0x38;
	[tilespmem:$0x16800] =	vst v63  }
0x216: {  	_ =	swait.ge [sflag:s22], $0x8000  }
0x217: {  	[sflag:s22] =	ssyncset.done $0x0  }
0x218: {  	s26 =	simm.s32 $0x5400;
	[sflag:s22] =	ssyncadd.s32 $0xFFFF8000  }
0x219: {  	[tilespmem:s19], [sflag:$0x2] =	stream.indirect.gather [hbm4b:s3+s16], $0x20, s26, s16, $0xb8;
	[tilespmem:$0x16800] =	vst v63  }
0x21a: {  	_ =	swait.ge [sflag:s20], $0x8000  }
0x21b: {  	[sflag:s20] =	ssyncset.done $0x0  }
0x21c: {  	s28 =	rddreg [dreg:$0x12];
	[sflag:s20] =	ssyncadd.s32 $0xFFFF8000  }
0x21d: {  	[hbm4b:s28+s2] =	stream.linear.scatter [tilespmem:s19], [sflag:$0x3], $0x8000, $0x38;
	[tilespmem:$0x16800] =	vst v63  }
0x21e: {  	_ =	swait.ge [sflag:s22], $0x8000  }
0x21f: {  	[sflag:s22] =	ssyncset.done $0x0  }
0x220: {  	s29 =	simm.s32 $0x5800;
	[sflag:s22] =	ssyncadd.s32 $0xFFFF8000  }
0x221: {  	[tilespmem:s21], [sflag:$0x2] =	stream.indirect.gather [hbm4b:s3+s16], $0x20, s29, s16, $0xb8;
	[tilespmem:$0x16800] =	vst v63  }
0x222: {  	_ =	swait.ge [sflag:s20], $0x8000  }
0x223: {  	[sflag:s20] =	ssyncset.done $0x0  }
0x224: {  	s25 =	rddreg [dreg:$0x13];
	[sflag:s20] =	ssyncadd.s32 $0xFFFF8000  }
0x225: {  	[hbm4b:s25+s2] =	stream.linear.scatter [tilespmem:s21], [sflag:$0x3], $0x8000, $0x38;
	[tilespmem:$0x16800] =	vst v63  }
0x226: {  	_ =	swait.ge [sflag:s22], $0x8000  }
0x227: {  	[sflag:s22] =	ssyncset.done $0x0  }
0x228: {  	s26 =	simm.s32 $0x5C00;
	[sflag:s22] =	ssyncadd.s32 $0xFFFF8000  }
0x229: {  	[tilespmem:s19], [sflag:$0x2] =	stream.indirect.gather [hbm4b:s3+s16], $0x20, s26, s16, $0xb8;
	[tilespmem:$0x16800] =	vst v63  }
0x22a: {  	_ =	swait.ge [sflag:s20], $0x8000  }
0x22b: {  	[sflag:s20] =	ssyncset.done $0x0  }
0x22c: {  	s28 =	rddreg [dreg:$0x14];
	[sflag:s20] =	ssyncadd.s32 $0xFFFF8000  }
0x22d: {  	[hbm4b:s28+s2] =	stream.linear.scatter [tilespmem:s19], [sflag:$0x3], $0x8000, $0x38;
	[tilespmem:$0x16800] =	vst v63  }
0x22e: {  	_ =	swait.ge [sflag:s22], $0x8000  }
0x22f: {  	[sflag:s22] =	ssyncset.done $0x0  }
0x230: {  	s29 =	simm.s32 $0x6000;
	[sflag:s22] =	ssyncadd.s32 $0xFFFF8000  }
0x231: {  	[tilespmem:s21], [sflag:$0x2] =	stream.indirect.gather [hbm4b:s3+s16], $0x20, s29, s16, $0xb8;
	[tilespmem:$0x16800] =	vst v63  }
0x232: {  	_ =	swait.ge [sflag:s20], $0x8000  }
0x233: {  	[sflag:s20] =	ssyncset.done $0x0  }
0x234: {  	s25 =	rddreg [dreg:$0x15];
	[sflag:s20] =	ssyncadd.s32 $0xFFFF8000  }
0x235: {  	[hbm4b:s25+s2] =	stream.linear.scatter [tilespmem:s21], [sflag:$0x3], $0x8000, $0x38;
	[tilespmem:$0x16800] =	vst v63  }
0x236: {  	_ =	swait.ge [sflag:s22], $0x8000  }
0x237: {  	[sflag:s22] =	ssyncset.done $0x0  }
0x238: {  	s26 =	simm.s32 $0x6400;
	[sflag:s22] =	ssyncadd.s32 $0xFFFF8000  }
0x239: {  	[tilespmem:s19], [sflag:$0x2] =	stream.indirect.gather [hbm4b:s3+s16], $0x20, s26, s16, $0xb8;
	[tilespmem:$0x16800] =	vst v63  }
0x23a: {  	_ =	swait.ge [sflag:s20], $0x8000  }
0x23b: {  	[sflag:s20] =	ssyncset.done $0x0  }
0x23c: {  	s28 =	rddreg [dreg:$0x16];
	[sflag:s20] =	ssyncadd.s32 $0xFFFF8000  }
0x23d: {  	[hbm4b:s28+s2] =	stream.linear.scatter [tilespmem:s19], [sflag:$0x3], $0x8000, $0x38;
	[tilespmem:$0x16800] =	vst v63  }
0x23e: {  	_ =	swait.ge [sflag:s22], $0x8000  }
0x23f: {  	[sflag:s22] =	ssyncset.done $0x0  }
0x240: {  	[sflag:s22] =	ssyncadd.s32 $0xFFFF8000  }
0x241: {  	_ =	swait.ge [sflag:s22], $0x8000  }
0x242: {  	s23 =	sadd.s32 $0x1, s23;
	s29 =	rddreg [dreg:$0x17]  }
0x243: {  	p0 =	sne.s32 s23, s29  }
.Ltmp1:
0x244: {  	_ = 	snop;
	(pc) =	sbr.rel @p0 .LBB2_1-.Ltmp1, $3  }
0x245: {  	_ =	sdelay $0x1  }
0x246: {  	[sflag:s22] =	ssyncset.done $0x0  }
0x247: {  	[sflag:s22] =	ssyncadd.s32 $0xFFFF8000  }
0x248: {  	_ =	sfence.sel $0x180000  }
0x249: {  	[bflag:$0x0] =	sbarrier.arrive $0xFFFF  }
0x24a: {  	_ =	strace $0x90000047  }
0x24b: {  	s0 =	stileid.u32;
	[bflag:$0x2] =	sbarrier.arrive $0xFFFF  }
0x24c: {  	p0 =	sne.s32 s0, $0x0;
	s0 =	rddreg [dreg:$0x2]  }
0x24d: {  	s0 =	sadd.s32 @!p0 $0x100000, s0  }
0x24e: {  	[sflag:s0] =	ssyncadd.tile.s32 @!p0 $0x1;
	_ =	shalt  }
.Lfunc_end2:
_tile_overlayer_lowered:
.L_overlay_start_2:
0x24f: {  	(tag) =	ssettag $0x2  }
0x250: {  	s0 =	rddreg [dreg:$0x0];
	s2 =	stileid.u32  }
0x251: {  	s1 =	rddreg [dreg:$0x1];
	p0 =	sne.s32 s2, $0x0  }
0x252: {  	s3 =	rddreg [dreg:$0x2];
	[bflag:$0x3] =	sbarrier.arrive $0xFFFF;
	s2 =	simm.s32 @!p0 $0x1C04  }
0x253: {  	[timem:s3], [sflag:s2] =	dma.local @!p0 [hbm:s0], s1  }
0x254: {  	s0 =	simm.s32 @!p0 $0x4  }
0x255: {  	_ =	swait.ge @!p0 [sflag:s0], s1  }
0x256: {  	s1 =	ssub.s32 @!p0 $0x0, s1;
	[sflag:s0] =	ssyncset.done @!p0 $0x0  }
0x257: {  	[sflag:s0] =	ssyncadd.s32 @!p0 s1  }
0x258: {  	[bflag:$0x3] =	sbarrier.arrive $0xFFFF  }
0x259: {  	_ =	shalt  }

</sc_bundles>
